<compile_context>
chip_gen: v7x
topology: tpu7x:2x2x1
jax: 0.10.2.dev20260603
libtpu: 0.0.44.dev20260713+nightly
codegen_flags: <defaults>
</compile_context>

<pallas_src>
import jax
import jax.numpy as jnp
from jax import lax
from jax.experimental import pallas as pl
from jax.experimental.pallas import tpu as pltpu
from jax.experimental.pallas import tpu_sc as plsc

B = 16384
L = 16
NW = 32
BPW = B // NW
ROWS_PW = 4 * BPW
NCHUNK = ROWS_PW // 128


def _body(op1_hbm, op2_hbm, res_hbm, tbl_hbm, out_hbm,
          i1_v, i2_v, i3_v, comb_v, rows_v, tbl_v, sem, sem2):
    nc = 2
    wid = lax.axis_index("s") * nc + lax.axis_index("c")
    base = wid * BPW

    @pl.when(lax.axis_index("s") == 0)
    def _():
        pltpu.sync_copy(tbl_hbm, tbl_v)
    pltpu.sync_copy(op1_hbm.at[pl.ds(base, BPW)], i1_v)
    pltpu.sync_copy(op2_hbm.at[pl.ds(base, BPW)], i2_v)
    pltpu.sync_copy(res_hbm.at[pl.ds(base, BPW)], i3_v)

    lane = lax.iota(jnp.int32, L)
    for g in range(BPW // L):
        a1 = i1_v[pl.ds(g * L, L)]
        a2 = i2_v[pl.ds(g * L, L)]
        a3 = i3_v[pl.ds(g * L, L)]
        pos0 = 64 * g + 4 * lane
        plsc.store_scatter(comb_v, [pos0], a1)
        plsc.store_scatter(comb_v, [pos0 + 1], a2 + 100)
        plsc.store_scatter(comb_v, [pos0 + 2], 2 * a3 + 200)
        plsc.store_scatter(comb_v, [pos0 + 3], 2 * a3 + 201)
    plsc.subcore_barrier()

    gathers = []
    for j in range(NCHUNK):
        gathers.append(pltpu.async_copy(
            tbl_v.at[comb_v.at[pl.ds(j * 128, 128)]],
            rows_v.at[pl.ds(j * 128, 128)],
            sem))
    for g in gathers:
        g.wait()

    pltpu.sync_copy(rows_v, out_hbm.at[pl.ds(wid * ROWS_PW, ROWS_PW)])


def kernel(op1, op2, res, W_op1, W_op2, W_sum):
    tbl = jnp.concatenate(
        [W_op1, W_op2, W_sum.reshape(-1, W_op1.shape[1])], axis=0)

    mesh = plsc.VectorSubcoreMesh(core_axis_name="c", subcore_axis_name="s")
    out = pl.kernel(
        _body,
        out_type=jax.ShapeDtypeStruct((4 * B, 32), jnp.float32),
        mesh=mesh,
        scratch_types=[
            pltpu.VMEM((BPW,), jnp.int32),
            pltpu.VMEM((BPW,), jnp.int32),
            pltpu.VMEM((BPW,), jnp.int32),
            pltpu.VMEM((ROWS_PW,), jnp.int32),
            pltpu.VMEM((ROWS_PW, 32), jnp.float32),
            pltpu.VMEM_SHARED((600, 32), jnp.float32),
            pltpu.SemaphoreType.DMA,
            pltpu.SemaphoreType.DMA,
        ],
        compiler_params=pltpu.CompilerParams(
            needs_layout_passes=False, use_tc_tiling_on_sc=False),
    )(op1.astype(jnp.int32), op2.astype(jnp.int32), res.astype(jnp.int32),
      tbl)
    return out.reshape(B, 128)

# --- scband reference (transcript-rebuilt; emitter-appended) ---
"""Pipeline reference for scband-problem-encoder-6253472383131 (READ-ONLY COPY).

The authoritative reference and input builder live on the scoring server;
editing this copy changes nothing except your own understanding.
"""

import jax, jax.numpy as jnp
import numpy as np

def setup_inputs(seed: int = 0) -> dict:
    key = jax.random.key(seed)
    k1, k2, k3, k4, k5, k6 = jax.random.split(key, 6)
    B = 16384
    embedding_dim = 128
    op1 = jax.random.randint(k1, (B,), 0, 100, dtype=jnp.int64 if jax.config.jax_enable_x64 else jnp.int32)
    op2 = jax.random.randint(k2, (B,), 0, 100, dtype=jnp.int64 if jax.config.jax_enable_x64 else jnp.int32)
    res = jax.random.randint(k3, (B,), 0, 200, dtype=jnp.int64 if jax.config.jax_enable_x64 else jnp.int32)
    W_op1 = jax.random.normal(k4, (100, embedding_dim // 4), dtype=jnp.float32)
    W_op2 = jax.random.normal(k5, (100, embedding_dim // 4), dtype=jnp.float32)
    W_sum = jax.random.normal(k6, (200, embedding_dim // 2), dtype=jnp.float32)
    return {"op1": op1, "op2": op2, "res": res, "W_op1": W_op1, "W_op2": W_op2, "W_sum": W_sum}

def reference(op1, op2, res, W_op1, W_op2, W_sum):
    op1_emb = jnp.take(W_op1, op1, axis=0)
    op2_emb = jnp.take(W_op2, op2, axis=0)
    sum_emb = jnp.take(W_sum, res, axis=0)
    return jnp.concatenate((op1_emb, op2_emb, sum_emb), axis=-1)

if __name__ == "__main__":
    import jax
    _d = setup_inputs()
    print(jax.jit(kernel)(*tuple(_d.values())))

</pallas_src>

<mosaic_0001>
#map = affine_map<(d0, d1) -> (0)>
#map1 = affine_map<(d0, d1) -> (0, 0)>
module attributes {stable_mosaic.version = 14 : i64} {
  func.func @_body(%arg0: i32, %arg1: i32, %arg2: memref<16384xi32, #tpu.memory_space<hbm>>, %arg3: memref<16384xi32, #tpu.memory_space<hbm>>, %arg4: memref<16384xi32, #tpu.memory_space<hbm>>, %arg5: memref<600x32xf32, #tpu.memory_space<hbm>>, %arg6: memref<65536x32xf32, #tpu.memory_space<hbm>>, %arg7: memref<512xi32, #tpu.memory_space<vmem>>, %arg8: memref<512xi32, #tpu.memory_space<vmem>>, %arg9: memref<512xi32, #tpu.memory_space<vmem>>, %arg10: memref<2048xi32, #tpu.memory_space<vmem>>, %arg11: memref<2048x32xf32, #tpu.memory_space<vmem>>, %arg12: memref<600x32xf32, #tpu.memory_space<vmem_shared>>, %arg13: memref<!tpu.dma_semaphore, #tpu.memory_space<semaphore_mem>>, %arg14: memref<!tpu.dma_semaphore, #tpu.memory_space<semaphore_mem>>) attributes {dimension_semantics = [#tpu.dimension_semantics<core_parallel>, #tpu.dimension_semantics<subcore_parallel>], iteration_bounds = array<i64: 2, 16>, scalar_prefetch = 0 : i64, scratch_operands = 8 : i64, tpu.core_type = #tpu.core_type<sc_vector_subcore>, window_params = [{transform_indices = #map}, {transform_indices = #map}, {transform_indices = #map}, {transform_indices = #map1}, {transform_indices = #map1}]} {
    %mul3A = arith.constant 2 : i32
    %mul3A_0 = arith.muli %arg1, %mul3A : i32
    %add3A = arith.addi %mul3A_0, %arg0 : i32
    %mul3A_1 = arith.constant 512 : i32
    %mul3A_2 = arith.muli %add3A, %mul3A_1 : i32
    %eq3A = arith.constant 0 : i32
    %eq3A_3 = arith.cmpi eq, %arg1, %eq3A : i32
    %convert_element_type3A = arith.extui %eq3A_3 : i1 to i32
    %cond3A = arith.constant 0 : i32
    %cond3A_4 = arith.cmpi ne, %convert_element_type3A, %cond3A : i32
    scf.if %cond3A_4 {
      "tpu.region"() ({
        %run_scoped3A = tpu.sem_alloc : memref<!tpu.dma_semaphore, #tpu.memory_space<semaphore_mem>>
        tpu.enqueue_dma source(%arg5 : memref<600x32xf32, #tpu.memory_space<hbm>>) target(%arg12 : memref<600x32xf32, #tpu.memory_space<vmem_shared>>) target_semaphore(%run_scoped3A : memref<!tpu.dma_semaphore, #tpu.memory_space<semaphore_mem>>)
        tpu.wait_dma2 semaphore(%run_scoped3A : memref<!tpu.dma_semaphore, #tpu.memory_space<semaphore_mem>>) src(%arg5 : memref<600x32xf32, #tpu.memory_space<hbm>>) dst(%arg12 : memref<600x32xf32, #tpu.memory_space<vmem_shared>>)
        tpu.yield
      }) : () -> ()
    } else {
    }
    "tpu.region"() ({
      %run_scoped3A = tpu.sem_alloc : memref<!tpu.dma_semaphore, #tpu.memory_space<semaphore_mem>>
      %dma_start3A_1412 = tpu.memref_slice %arg2[%mul3A_2] : memref<16384xi32, #tpu.memory_space<hbm>> -> memref<512xi32, #tpu.memory_space<hbm>>
      %dma_start3A_1413 = tpu.memref_slice %arg2[%mul3A_2] : memref<16384xi32, #tpu.memory_space<hbm>> -> memref<512xi32, #tpu.memory_space<hbm>>
      tpu.enqueue_dma source(%dma_start3A_1413 : memref<512xi32, #tpu.memory_space<hbm>>) target(%arg7 : memref<512xi32, #tpu.memory_space<vmem>>) target_semaphore(%run_scoped3A : memref<!tpu.dma_semaphore, #tpu.memory_space<semaphore_mem>>)
      %dma_wait3A_1414 = tpu.memref_slice %arg2[%mul3A_2] : memref<16384xi32, #tpu.memory_space<hbm>> -> memref<512xi32, #tpu.memory_space<hbm>>
      %dma_wait3A_1415 = tpu.memref_slice %arg2[%mul3A_2] : memref<16384xi32, #tpu.memory_space<hbm>> -> memref<512xi32, #tpu.memory_space<hbm>>
      tpu.wait_dma2 semaphore(%run_scoped3A : memref<!tpu.dma_semaphore, #tpu.memory_space<semaphore_mem>>) src(%dma_wait3A_1415 : memref<512xi32, #tpu.memory_space<hbm>>) dst(%arg7 : memref<512xi32, #tpu.memory_space<vmem>>)
      tpu.yield
    }) : () -> ()
    "tpu.region"() ({
      %run_scoped3A = tpu.sem_alloc : memref<!tpu.dma_semaphore, #tpu.memory_space<semaphore_mem>>
      %dma_start3A_1412 = tpu.memref_slice %arg3[%mul3A_2] : memref<16384xi32, #tpu.memory_space<hbm>> -> memref<512xi32, #tpu.memory_space<hbm>>
      %dma_start3A_1413 = tpu.memref_slice %arg3[%mul3A_2] : memref<16384xi32, #tpu.memory_space<hbm>> -> memref<512xi32, #tpu.memory_space<hbm>>
      tpu.enqueue_dma source(%dma_start3A_1413 : memref<512xi32, #tpu.memory_space<hbm>>) target(%arg8 : memref<512xi32, #tpu.memory_space<vmem>>) target_semaphore(%run_scoped3A : memref<!tpu.dma_semaphore, #tpu.memory_space<semaphore_mem>>)
      %dma_wait3A_1414 = tpu.memref_slice %arg3[%mul3A_2] : memref<16384xi32, #tpu.memory_space<hbm>> -> memref<512xi32, #tpu.memory_space<hbm>>
      %dma_wait3A_1415 = tpu.memref_slice %arg3[%mul3A_2] : memref<16384xi32, #tpu.memory_space<hbm>> -> memref<512xi32, #tpu.memory_space<hbm>>
      tpu.wait_dma2 semaphore(%run_scoped3A : memref<!tpu.dma_semaphore, #tpu.memory_space<semaphore_mem>>) src(%dma_wait3A_1415 : memref<512xi32, #tpu.memory_space<hbm>>) dst(%arg8 : memref<512xi32, #tpu.memory_space<vmem>>)
      tpu.yield
    }) : () -> ()
    "tpu.region"() ({
      %run_scoped3A = tpu.sem_alloc : memref<!tpu.dma_semaphore, #tpu.memory_space<semaphore_mem>>
      %dma_start3A_1412 = tpu.memref_slice %arg4[%mul3A_2] : memref<16384xi32, #tpu.memory_space<hbm>> -> memref<512xi32, #tpu.memory_space<hbm>>
      %dma_start3A_1413 = tpu.memref_slice %arg4[%mul3A_2] : memref<16384xi32, #tpu.memory_space<hbm>> -> memref<512xi32, #tpu.memory_space<hbm>>
      tpu.enqueue_dma source(%dma_start3A_1413 : memref<512xi32, #tpu.memory_space<hbm>>) target(%arg9 : memref<512xi32, #tpu.memory_space<vmem>>) target_semaphore(%run_scoped3A : memref<!tpu.dma_semaphore, #tpu.memory_space<semaphore_mem>>)
      %dma_wait3A_1414 = tpu.memref_slice %arg4[%mul3A_2] : memref<16384xi32, #tpu.memory_space<hbm>> -> memref<512xi32, #tpu.memory_space<hbm>>
      %dma_wait3A_1415 = tpu.memref_slice %arg4[%mul3A_2] : memref<16384xi32, #tpu.memory_space<hbm>> -> memref<512xi32, #tpu.memory_space<hbm>>
      tpu.wait_dma2 semaphore(%run_scoped3A : memref<!tpu.dma_semaphore, #tpu.memory_space<semaphore_mem>>) src(%dma_wait3A_1415 : memref<512xi32, #tpu.memory_space<hbm>>) dst(%arg9 : memref<512xi32, #tpu.memory_space<vmem>>)
      tpu.yield
    }) : () -> ()
    %iota3A = tpu.iota {dimensions = array<i32: 0>} : vector<16xi32>
    %get3A = arith.constant 0 : index
    %get3A_5 = tpu.vector_load %arg7[%get3A] {strides = array<i32>} : memref<512xi32, #tpu.memory_space<vmem>>, vector<16xi32>,
    %get3A_6 = arith.constant 0 : index
    %get3A_7 = tpu.vector_load %arg8[%get3A_6] {strides = array<i32>} : memref<512xi32, #tpu.memory_space<vmem>>, vector<16xi32>,
    %get3A_8 = arith.constant 0 : index
    %get3A_9 = tpu.vector_load %arg9[%get3A_8] {strides = array<i32>} : memref<512xi32, #tpu.memory_space<vmem>>, vector<16xi32>,
    %mul3A_10 = arith.constant 4 : i32
    %mul3A_11 = vector.broadcast %mul3A_10 : i32 to vector<16xi32>
    %mul3A_12 = arith.muli %mul3A_11, %iota3A : vector<16xi32>
    %add3A_13 = arith.constant 0 : i32
    %add3A_14 = vector.broadcast %add3A_13 : i32 to vector<16xi32>
    %add3A_15 = arith.addi %add3A_14, %mul3A_12 : vector<16xi32>
    tpu.vector_store_idx %arg10[%add3A_15], %get3A_5 : memref<2048xi32, #tpu.memory_space<vmem>>[vector<16xi32>], vector<16xi32>,
    %add3A_16 = arith.constant 1 : i32
    %add3A_17 = vector.broadcast %add3A_16 : i32 to vector<16xi32>
    %add3A_18 = arith.addi %add3A_15, %add3A_17 : vector<16xi32>
    %add3A_19 = arith.constant 100 : i32
    %add3A_20 = vector.broadcast %add3A_19 : i32 to vector<16xi32>
    %add3A_21 = arith.addi %get3A_7, %add3A_20 : vector<16xi32>
    tpu.vector_store_idx %arg10[%add3A_18], %add3A_21 : memref<2048xi32, #tpu.memory_space<vmem>>[vector<16xi32>], vector<16xi32>,
    %add3A_22 = arith.constant 2 : i32
    %add3A_23 = vector.broadcast %add3A_22 : i32 to vector<16xi32>
    %add3A_24 = arith.addi %add3A_15, %add3A_23 : vector<16xi32>
    %mul3A_25 = arith.constant 2 : i32
    %mul3A_26 = vector.broadcast %mul3A_25 : i32 to vector<16xi32>
    %mul3A_27 = arith.muli %mul3A_26, %get3A_9 : vector<16xi32>
    %add3A_28 = arith.constant 200 : i32
    %add3A_29 = vector.broadcast %add3A_28 : i32 to vector<16xi32>
    %add3A_30 = arith.addi %mul3A_27, %add3A_29 : vector<16xi32>
    tpu.vector_store_idx %arg10[%add3A_24], %add3A_30 : memref<2048xi32, #tpu.memory_space<vmem>>[vector<16xi32>], vector<16xi32>,
    %add3A_31 = arith.constant 3 : i32
    %add3A_32 = vector.broadcast %add3A_31 : i32 to vector<16xi32>
    %add3A_33 = arith.addi %add3A_15, %add3A_32 : vector<16xi32>
    %mul3A_34 = arith.constant 2 : i32
    %mul3A_35 = vector.broadcast %mul3A_34 : i32 to vector<16xi32>
    %mul3A_36 = arith.muli %mul3A_35, %get3A_9 : vector<16xi32>
    %add3A_37 = arith.constant 201 : i32
    %add3A_38 = vector.broadcast %add3A_37 : i32 to vector<16xi32>
    %add3A_39 = arith.addi %mul3A_36, %add3A_38 : vector<16xi32>
    tpu.vector_store_idx %arg10[%add3A_33], %add3A_39 : memref<2048xi32, #tpu.memory_space<vmem>>[vector<16xi32>], vector<16xi32>,
    %get3A_40 = arith.constant 16 : index
    %get3A_41 = tpu.vector_load %arg7[%get3A_40] {strides = array<i32>} : memref<512xi32, #tpu.memory_space<vmem>>, vector<16xi32>,
    %get3A_42 = arith.constant 16 : index
    %get3A_43 = tpu.vector_load %arg8[%get3A_42] {strides = array<i32>} : memref<512xi32, #tpu.memory_space<vmem>>, vector<16xi32>,
    %get3A_44 = arith.constant 16 : index
    %get3A_45 = tpu.vector_load %arg9[%get3A_44] {strides = array<i32>} : memref<512xi32, #tpu.memory_space<vmem>>, vector<16xi32>,
    %mul3A_46 = arith.constant 4 : i32
    %mul3A_47 = vector.broadcast %mul3A_46 : i32 to vector<16xi32>
    %mul3A_48 = arith.muli %mul3A_47, %iota3A : vector<16xi32>
    %add3A_49 = arith.constant 64 : i32
    %add3A_50 = vector.broadcast %add3A_49 : i32 to vector<16xi32>
    %add3A_51 = arith.addi %add3A_50, %mul3A_48 : vector<16xi32>
    tpu.vector_store_idx %arg10[%add3A_51], %get3A_41 : memref<2048xi32, #tpu.memory_space<vmem>>[vector<16xi32>], vector<16xi32>,
    %add3A_52 = arith.constant 1 : i32
    %add3A_53 = vector.broadcast %add3A_52 : i32 to vector<16xi32>
    %add3A_54 = arith.addi %add3A_51, %add3A_53 : vector<16xi32>
    %add3A_55 = arith.constant 100 : i32
    %add3A_56 = vector.broadcast %add3A_55 : i32 to vector<16xi32>
    %add3A_57 = arith.addi %get3A_43, %add3A_56 : vector<16xi32>
    tpu.vector_store_idx %arg10[%add3A_54], %add3A_57 : memref<2048xi32, #tpu.memory_space<vmem>>[vector<16xi32>], vector<16xi32>,
    %add3A_58 = arith.constant 2 : i32
    %add3A_59 = vector.broadcast %add3A_58 : i32 to vector<16xi32>
    %add3A_60 = arith.addi %add3A_51, %add3A_59 : vector<16xi32>
    %mul3A_61 = arith.constant 2 : i32
    %mul3A_62 = vector.broadcast %mul3A_61 : i32 to vector<16xi32>
    %mul3A_63 = arith.muli %mul3A_62, %get3A_45 : vector<16xi32>
    %add3A_64 = arith.constant 200 : i32
    %add3A_65 = vector.broadcast %add3A_64 : i32 to vector<16xi32>
    %add3A_66 = arith.addi %mul3A_63, %add3A_65 : vector<16xi32>
    tpu.vector_store_idx %arg10[%add3A_60], %add3A_66 : memref<2048xi32, #tpu.memory_space<vmem>>[vector<16xi32>], vector<16xi32>,
    %add3A_67 = arith.constant 3 : i32
    %add3A_68 = vector.broadcast %add3A_67 : i32 to vector<16xi32>
    %add3A_69 = arith.addi %add3A_51, %add3A_68 : vector<16xi32>
    %mul3A_70 = arith.constant 2 : i32
    %mul3A_71 = vector.broadcast %mul3A_70 : i32 to vector<16xi32>
    %mul3A_72 = arith.muli %mul3A_71, %get3A_45 : vector<16xi32>
    %add3A_73 = arith.constant 201 : i32
    %add3A_74 = vector.broadcast %add3A_73 : i32 to vector<16xi32>
    %add3A_75 = arith.addi %mul3A_72, %add3A_74 : vector<16xi32>
    tpu.vector_store_idx %arg10[%add3A_69], %add3A_75 : memref<2048xi32, #tpu.memory_space<vmem>>[vector<16xi32>], vector<16xi32>,
    %get3A_76 = arith.constant 32 : index
    %get3A_77 = tpu.vector_load %arg7[%get3A_76] {strides = array<i32>} : memref<512xi32, #tpu.memory_space<vmem>>, vector<16xi32>,
    %get3A_78 = arith.constant 32 : index
    %get3A_79 = tpu.vector_load %arg8[%get3A_78] {strides = array<i32>} : memref<512xi32, #tpu.memory_space<vmem>>, vector<16xi32>,
    %get3A_80 = arith.constant 32 : index
    %get3A_81 = tpu.vector_load %arg9[%get3A_80] {strides = array<i32>} : memref<512xi32, #tpu.memory_space<vmem>>, vector<16xi32>,
    %mul3A_82 = arith.constant 4 : i32
    %mul3A_83 = vector.broadcast %mul3A_82 : i32 to vector<16xi32>
    %mul3A_84 = arith.muli %mul3A_83, %iota3A : vector<16xi32>
    %add3A_85 = arith.constant 128 : i32
    %add3A_86 = vector.broadcast %add3A_85 : i32 to vector<16xi32>
    %add3A_87 = arith.addi %add3A_86, %mul3A_84 : vector<16xi32>
    tpu.vector_store_idx %arg10[%add3A_87], %get3A_77 : memref<2048xi32, #tpu.memory_space<vmem>>[vector<16xi32>], vector<16xi32>,
    %add3A_88 = arith.constant 1 : i32
    %add3A_89 = vector.broadcast %add3A_88 : i32 to vector<16xi32>
    %add3A_90 = arith.addi %add3A_87, %add3A_89 : vector<16xi32>
    %add3A_91 = arith.constant 100 : i32
    %add3A_92 = vector.broadcast %add3A_91 : i32 to vector<16xi32>
    %add3A_93 = arith.addi %get3A_79, %add3A_92 : vector<16xi32>
    tpu.vector_store_idx %arg10[%add3A_90], %add3A_93 : memref<2048xi32, #tpu.memory_space<vmem>>[vector<16xi32>], vector<16xi32>,
    %add3A_94 = arith.constant 2 : i32
    %add3A_95 = vector.broadcast %add3A_94 : i32 to vector<16xi32>
    %add3A_96 = arith.addi %add3A_87, %add3A_95 : vector<16xi32>
    %mul3A_97 = arith.constant 2 : i32
    %mul3A_98 = vector.broadcast %mul3A_97 : i32 to vector<16xi32>
    %mul3A_99 = arith.muli %mul3A_98, %get3A_81 : vector<16xi32>
    %add3A_100 = arith.constant 200 : i32
    %add3A_101 = vector.broadcast %add3A_100 : i32 to vector<16xi32>
    %add3A_102 = arith.addi %mul3A_99, %add3A_101 : vector<16xi32>
    tpu.vector_store_idx %arg10[%add3A_96], %add3A_102 : memref<2048xi32, #tpu.memory_space<vmem>>[vector<16xi32>], vector<16xi32>,
    %add3A_103 = arith.constant 3 : i32
    %add3A_104 = vector.broadcast %add3A_103 : i32 to vector<16xi32>
    %add3A_105 = arith.addi %add3A_87, %add3A_104 : vector<16xi32>
    %mul3A_106 = arith.constant 2 : i32
    %mul3A_107 = vector.broadcast %mul3A_106 : i32 to vector<16xi32>
    %mul3A_108 = arith.muli %mul3A_107, %get3A_81 : vector<16xi32>
    %add3A_109 = arith.constant 201 : i32
    %add3A_110 = vector.broadcast %add3A_109 : i32 to vector<16xi32>
    %add3A_111 = arith.addi %mul3A_108, %add3A_110 : vector<16xi32>
    tpu.vector_store_idx %arg10[%add3A_105], %add3A_111 : memref<2048xi32, #tpu.memory_space<vmem>>[vector<16xi32>], vector<16xi32>,
    %get3A_112 = arith.constant 48 : index
    %get3A_113 = tpu.vector_load %arg7[%get3A_112] {strides = array<i32>} : memref<512xi32, #tpu.memory_space<vmem>>, vector<16xi32>,
    %get3A_114 = arith.constant 48 : index
    %get3A_115 = tpu.vector_load %arg8[%get3A_114] {strides = array<i32>} : memref<512xi32, #tpu.memory_space<vmem>>, vector<16xi32>,
    %get3A_116 = arith.constant 48 : index
    %get3A_117 = tpu.vector_load %arg9[%get3A_116] {strides = array<i32>} : memref<512xi32, #tpu.memory_space<vmem>>, vector<16xi32>,
    %mul3A_118 = arith.constant 4 : i32
    %mul3A_119 = vector.broadcast %mul3A_118 : i32 to vector<16xi32>
    %mul3A_120 = arith.muli %mul3A_119, %iota3A : vector<16xi32>
    %add3A_121 = arith.constant 192 : i32
    %add3A_122 = vector.broadcast %add3A_121 : i32 to vector<16xi32>
    %add3A_123 = arith.addi %add3A_122, %mul3A_120 : vector<16xi32>
    tpu.vector_store_idx %arg10[%add3A_123], %get3A_113 : memref<2048xi32, #tpu.memory_space<vmem>>[vector<16xi32>], vector<16xi32>,
    %add3A_124 = arith.constant 1 : i32
    %add3A_125 = vector.broadcast %add3A_124 : i32 to vector<16xi32>
    %add3A_126 = arith.addi %add3A_123, %add3A_125 : vector<16xi32>
    %add3A_127 = arith.constant 100 : i32
    %add3A_128 = vector.broadcast %add3A_127 : i32 to vector<16xi32>
    %add3A_129 = arith.addi %get3A_115, %add3A_128 : vector<16xi32>
    tpu.vector_store_idx %arg10[%add3A_126], %add3A_129 : memref<2048xi32, #tpu.memory_space<vmem>>[vector<16xi32>], vector<16xi32>,
    %add3A_130 = arith.constant 2 : i32
    %add3A_131 = vector.broadcast %add3A_130 : i32 to vector<16xi32>
    %add3A_132 = arith.addi %add3A_123, %add3A_131 : vector<16xi32>
    %mul3A_133 = arith.constant 2 : i32
    %mul3A_134 = vector.broadcast %mul3A_133 : i32 to vector<16xi32>
    %mul3A_135 = arith.muli %mul3A_134, %get3A_117 : vector<16xi32>
    %add3A_136 = arith.constant 200 : i32
    %add3A_137 = vector.broadcast %add3A_136 : i32 to vector<16xi32>
    %add3A_138 = arith.addi %mul3A_135, %add3A_137 : vector<16xi32>
    tpu.vector_store_idx %arg10[%add3A_132], %add3A_138 : memref<2048xi32, #tpu.memory_space<vmem>>[vector<16xi32>], vector<16xi32>,
    %add3A_139 = arith.constant 3 : i32
    %add3A_140 = vector.broadcast %add3A_139 : i32 to vector<16xi32>
    %add3A_141 = arith.addi %add3A_123, %add3A_140 : vector<16xi32>
    %mul3A_142 = arith.constant 2 : i32
    %mul3A_143 = vector.broadcast %mul3A_142 : i32 to vector<16xi32>
    %mul3A_144 = arith.muli %mul3A_143, %get3A_117 : vector<16xi32>
    %add3A_145 = arith.constant 201 : i32
    %add3A_146 = vector.broadcast %add3A_145 : i32 to vector<16xi32>
    %add3A_147 = arith.addi %mul3A_144, %add3A_146 : vector<16xi32>
    tpu.vector_store_idx %arg10[%add3A_141], %add3A_147 : memref<2048xi32, #tpu.memory_space<vmem>>[vector<16xi32>], vector<16xi32>,
    %get3A_148 = arith.constant 64 : index
    %get3A_149 = tpu.vector_load %arg7[%get3A_148] {strides = array<i32>} : memref<512xi32, #tpu.memory_space<vmem>>, vector<16xi32>,
    %get3A_150 = arith.constant 64 : index
    %get3A_151 = tpu.vector_load %arg8[%get3A_150] {strides = array<i32>} : memref<512xi32, #tpu.memory_space<vmem>>, vector<16xi32>,
    %get3A_152 = arith.constant 64 : index
    %get3A_153 = tpu.vector_load %arg9[%get3A_152] {strides = array<i32>} : memref<512xi32, #tpu.memory_space<vmem>>, vector<16xi32>,
    %mul3A_154 = arith.constant 4 : i32
    %mul3A_155 = vector.broadcast %mul3A_154 : i32 to vector<16xi32>
    %mul3A_156 = arith.muli %mul3A_155, %iota3A : vector<16xi32>
    %add3A_157 = arith.constant 256 : i32
    %add3A_158 = vector.broadcast %add3A_157 : i32 to vector<16xi32>
    %add3A_159 = arith.addi %add3A_158, %mul3A_156 : vector<16xi32>
    tpu.vector_store_idx %arg10[%add3A_159], %get3A_149 : memref<2048xi32, #tpu.memory_space<vmem>>[vector<16xi32>], vector<16xi32>,
    %add3A_160 = arith.constant 1 : i32
    %add3A_161 = vector.broadcast %add3A_160 : i32 to vector<16xi32>
    %add3A_162 = arith.addi %add3A_159, %add3A_161 : vector<16xi32>
    %add3A_163 = arith.constant 100 : i32
    %add3A_164 = vector.broadcast %add3A_163 : i32 to vector<16xi32>
    %add3A_165 = arith.addi %get3A_151, %add3A_164 : vector<16xi32>
    tpu.vector_store_idx %arg10[%add3A_162], %add3A_165 : memref<2048xi32, #tpu.memory_space<vmem>>[vector<16xi32>], vector<16xi32>,
    %add3A_166 = arith.constant 2 : i32
    %add3A_167 = vector.broadcast %add3A_166 : i32 to vector<16xi32>
    %add3A_168 = arith.addi %add3A_159, %add3A_167 : vector<16xi32>
    %mul3A_169 = arith.constant 2 : i32
    %mul3A_170 = vector.broadcast %mul3A_169 : i32 to vector<16xi32>
    %mul3A_171 = arith.muli %mul3A_170, %get3A_153 : vector<16xi32>
    %add3A_172 = arith.constant 200 : i32
    %add3A_173 = vector.broadcast %add3A_172 : i32 to vector<16xi32>
    %add3A_174 = arith.addi %mul3A_171, %add3A_173 : vector<16xi32>
    tpu.vector_store_idx %arg10[%add3A_168], %add3A_174 : memref<2048xi32, #tpu.memory_space<vmem>>[vector<16xi32>], vector<16xi32>,
    %add3A_175 = arith.constant 3 : i32
    %add3A_176 = vector.broadcast %add3A_175 : i32 to vector<16xi32>
    %add3A_177 = arith.addi %add3A_159, %add3A_176 : vector<16xi32>
    %mul3A_178 = arith.constant 2 : i32
    %mul3A_179 = vector.broadcast %mul3A_178 : i32 to vector<16xi32>
    %mul3A_180 = arith.muli %mul3A_179, %get3A_153 : vector<16xi32>
    %add3A_181 = arith.constant 201 : i32
    %add3A_182 = vector.broadcast %add3A_181 : i32 to vector<16xi32>
    %add3A_183 = arith.addi %mul3A_180, %add3A_182 : vector<16xi32>
    tpu.vector_store_idx %arg10[%add3A_177], %add3A_183 : memref<2048xi32, #tpu.memory_space<vmem>>[vector<16xi32>], vector<16xi32>,
    %get3A_184 = arith.constant 80 : index
    %get3A_185 = tpu.vector_load %arg7[%get3A_184] {strides = array<i32>} : memref<512xi32, #tpu.memory_space<vmem>>, vector<16xi32>,
    %get3A_186 = arith.constant 80 : index
    %get3A_187 = tpu.vector_load %arg8[%get3A_186] {strides = array<i32>} : memref<512xi32, #tpu.memory_space<vmem>>, vector<16xi32>,
    %get3A_188 = arith.constant 80 : index
    %get3A_189 = tpu.vector_load %arg9[%get3A_188] {strides = array<i32>} : memref<512xi32, #tpu.memory_space<vmem>>, vector<16xi32>,
    %mul3A_190 = arith.constant 4 : i32
    %mul3A_191 = vector.broadcast %mul3A_190 : i32 to vector<16xi32>
    %mul3A_192 = arith.muli %mul3A_191, %iota3A : vector<16xi32>
    %add3A_193 = arith.constant 320 : i32
    %add3A_194 = vector.broadcast %add3A_193 : i32 to vector<16xi32>
    %add3A_195 = arith.addi %add3A_194, %mul3A_192 : vector<16xi32>
    tpu.vector_store_idx %arg10[%add3A_195], %get3A_185 : memref<2048xi32, #tpu.memory_space<vmem>>[vector<16xi32>], vector<16xi32>,
    %add3A_196 = arith.constant 1 : i32
    %add3A_197 = vector.broadcast %add3A_196 : i32 to vector<16xi32>
    %add3A_198 = arith.addi %add3A_195, %add3A_197 : vector<16xi32>
    %add3A_199 = arith.constant 100 : i32
    %add3A_200 = vector.broadcast %add3A_199 : i32 to vector<16xi32>
    %add3A_201 = arith.addi %get3A_187, %add3A_200 : vector<16xi32>
    tpu.vector_store_idx %arg10[%add3A_198], %add3A_201 : memref<2048xi32, #tpu.memory_space<vmem>>[vector<16xi32>], vector<16xi32>,
    %add3A_202 = arith.constant 2 : i32
    %add3A_203 = vector.broadcast %add3A_202 : i32 to vector<16xi32>
    %add3A_204 = arith.addi %add3A_195, %add3A_203 : vector<16xi32>
    %mul3A_205 = arith.constant 2 : i32
    %mul3A_206 = vector.broadcast %mul3A_205 : i32 to vector<16xi32>
    %mul3A_207 = arith.muli %mul3A_206, %get3A_189 : vector<16xi32>
    %add3A_208 = arith.constant 200 : i32
    %add3A_209 = vector.broadcast %add3A_208 : i32 to vector<16xi32>
    %add3A_210 = arith.addi %mul3A_207, %add3A_209 : vector<16xi32>
    tpu.vector_store_idx %arg10[%add3A_204], %add3A_210 : memref<2048xi32, #tpu.memory_space<vmem>>[vector<16xi32>], vector<16xi32>,
    %add3A_211 = arith.constant 3 : i32
    %add3A_212 = vector.broadcast %add3A_211 : i32 to vector<16xi32>
    %add3A_213 = arith.addi %add3A_195, %add3A_212 : vector<16xi32>
    %mul3A_214 = arith.constant 2 : i32
    %mul3A_215 = vector.broadcast %mul3A_214 : i32 to vector<16xi32>
    %mul3A_216 = arith.muli %mul3A_215, %get3A_189 : vector<16xi32>
    %add3A_217 = arith.constant 201 : i32
    %add3A_218 = vector.broadcast %add3A_217 : i32 to vector<16xi32>
    %add3A_219 = arith.addi %mul3A_216, %add3A_218 : vector<16xi32>
    tpu.vector_store_idx %arg10[%add3A_213], %add3A_219 : memref<2048xi32, #tpu.memory_space<vmem>>[vector<16xi32>], vector<16xi32>,
    %get3A_220 = arith.constant 96 : index
    %get3A_221 = tpu.vector_load %arg7[%get3A_220] {strides = array<i32>} : memref<512xi32, #tpu.memory_space<vmem>>, vector<16xi32>,
    %get3A_222 = arith.constant 96 : index
    %get3A_223 = tpu.vector_load %arg8[%get3A_222] {strides = array<i32>} : memref<512xi32, #tpu.memory_space<vmem>>, vector<16xi32>,
    %get3A_224 = arith.constant 96 : index
    %get3A_225 = tpu.vector_load %arg9[%get3A_224] {strides = array<i32>} : memref<512xi32, #tpu.memory_space<vmem>>, vector<16xi32>,
    %mul3A_226 = arith.constant 4 : i32
    %mul3A_227 = vector.broadcast %mul3A_226 : i32 to vector<16xi32>
    %mul3A_228 = arith.muli %mul3A_227, %iota3A : vector<16xi32>
    %add3A_229 = arith.constant 384 : i32
    %add3A_230 = vector.broadcast %add3A_229 : i32 to vector<16xi32>
    %add3A_231 = arith.addi %add3A_230, %mul3A_228 : vector<16xi32>
    tpu.vector_store_idx %arg10[%add3A_231], %get3A_221 : memref<2048xi32, #tpu.memory_space<vmem>>[vector<16xi32>], vector<16xi32>,
    %add3A_232 = arith.constant 1 : i32
    %add3A_233 = vector.broadcast %add3A_232 : i32 to vector<16xi32>
    %add3A_234 = arith.addi %add3A_231, %add3A_233 : vector<16xi32>
    %add3A_235 = arith.constant 100 : i32
    %add3A_236 = vector.broadcast %add3A_235 : i32 to vector<16xi32>
    %add3A_237 = arith.addi %get3A_223, %add3A_236 : vector<16xi32>
    tpu.vector_store_idx %arg10[%add3A_234], %add3A_237 : memref<2048xi32, #tpu.memory_space<vmem>>[vector<16xi32>], vector<16xi32>,
    %add3A_238 = arith.constant 2 : i32
    %add3A_239 = vector.broadcast %add3A_238 : i32 to vector<16xi32>
    %add3A_240 = arith.addi %add3A_231, %add3A_239 : vector<16xi32>
    %mul3A_241 = arith.constant 2 : i32
    %mul3A_242 = vector.broadcast %mul3A_241 : i32 to vector<16xi32>
    %mul3A_243 = arith.muli %mul3A_242, %get3A_225 : vector<16xi32>
    %add3A_244 = arith.constant 200 : i32
    %add3A_245 = vector.broadcast %add3A_244 : i32 to vector<16xi32>
    %add3A_246 = arith.addi %mul3A_243, %add3A_245 : vector<16xi32>
    tpu.vector_store_idx %arg10[%add3A_240], %add3A_246 : memref<2048xi32, #tpu.memory_space<vmem>>[vector<16xi32>], vector<16xi32>,
    %add3A_247 = arith.constant 3 : i32
    %add3A_248 = vector.broadcast %add3A_247 : i32 to vector<16xi32>
    %add3A_249 = arith.addi %add3A_231, %add3A_248 : vector<16xi32>
    %mul3A_250 = arith.constant 2 : i32
    %mul3A_251 = vector.broadcast %mul3A_250 : i32 to vector<16xi32>
    %mul3A_252 = arith.muli %mul3A_251, %get3A_225 : vector<16xi32>
    %add3A_253 = arith.constant 201 : i32
    %add3A_254 = vector.broadcast %add3A_253 : i32 to vector<16xi32>
    %add3A_255 = arith.addi %mul3A_252, %add3A_254 : vector<16xi32>
    tpu.vector_store_idx %arg10[%add3A_249], %add3A_255 : memref<2048xi32, #tpu.memory_space<vmem>>[vector<16xi32>], vector<16xi32>,
    %get3A_256 = arith.constant 112 : index
    %get3A_257 = tpu.vector_load %arg7[%get3A_256] {strides = array<i32>} : memref<512xi32, #tpu.memory_space<vmem>>, vector<16xi32>,
    %get3A_258 = arith.constant 112 : index
    %get3A_259 = tpu.vector_load %arg8[%get3A_258] {strides = array<i32>} : memref<512xi32, #tpu.memory_space<vmem>>, vector<16xi32>,
    %get3A_260 = arith.constant 112 : index
    %get3A_261 = tpu.vector_load %arg9[%get3A_260] {strides = array<i32>} : memref<512xi32, #tpu.memory_space<vmem>>, vector<16xi32>,
    %mul3A_262 = arith.constant 4 : i32
    %mul3A_263 = vector.broadcast %mul3A_262 : i32 to vector<16xi32>
    %mul3A_264 = arith.muli %mul3A_263, %iota3A : vector<16xi32>
    %add3A_265 = arith.constant 448 : i32
    %add3A_266 = vector.broadcast %add3A_265 : i32 to vector<16xi32>
    %add3A_267 = arith.addi %add3A_266, %mul3A_264 : vector<16xi32>
    tpu.vector_store_idx %arg10[%add3A_267], %get3A_257 : memref<2048xi32, #tpu.memory_space<vmem>>[vector<16xi32>], vector<16xi32>,
    %add3A_268 = arith.constant 1 : i32
    %add3A_269 = vector.broadcast %add3A_268 : i32 to vector<16xi32>
    %add3A_270 = arith.addi %add3A_267, %add3A_269 : vector<16xi32>
    %add3A_271 = arith.constant 100 : i32
    %add3A_272 = vector.broadcast %add3A_271 : i32 to vector<16xi32>
    %add3A_273 = arith.addi %get3A_259, %add3A_272 : vector<16xi32>
    tpu.vector_store_idx %arg10[%add3A_270], %add3A_273 : memref<2048xi32, #tpu.memory_space<vmem>>[vector<16xi32>], vector<16xi32>,
    %add3A_274 = arith.constant 2 : i32
    %add3A_275 = vector.broadcast %add3A_274 : i32 to vector<16xi32>
    %add3A_276 = arith.addi %add3A_267, %add3A_275 : vector<16xi32>
    %mul3A_277 = arith.constant 2 : i32
    %mul3A_278 = vector.broadcast %mul3A_277 : i32 to vector<16xi32>
    %mul3A_279 = arith.muli %mul3A_278, %get3A_261 : vector<16xi32>
    %add3A_280 = arith.constant 200 : i32
    %add3A_281 = vector.broadcast %add3A_280 : i32 to vector<16xi32>
    %add3A_282 = arith.addi %mul3A_279, %add3A_281 : vector<16xi32>
    tpu.vector_store_idx %arg10[%add3A_276], %add3A_282 : memref<2048xi32, #tpu.memory_space<vmem>>[vector<16xi32>], vector<16xi32>,
    %add3A_283 = arith.constant 3 : i32
    %add3A_284 = vector.broadcast %add3A_283 : i32 to vector<16xi32>
    %add3A_285 = arith.addi %add3A_267, %add3A_284 : vector<16xi32>
    %mul3A_286 = arith.constant 2 : i32
    %mul3A_287 = vector.broadcast %mul3A_286 : i32 to vector<16xi32>
    %mul3A_288 = arith.muli %mul3A_287, %get3A_261 : vector<16xi32>
    %add3A_289 = arith.constant 201 : i32
    %add3A_290 = vector.broadcast %add3A_289 : i32 to vector<16xi32>
    %add3A_291 = arith.addi %mul3A_288, %add3A_290 : vector<16xi32>
    tpu.vector_store_idx %arg10[%add3A_285], %add3A_291 : memref<2048xi32, #tpu.memory_space<vmem>>[vector<16xi32>], vector<16xi32>,
    %get3A_292 = arith.constant 128 : index
    %get3A_293 = tpu.vector_load %arg7[%get3A_292] {strides = array<i32>} : memref<512xi32, #tpu.memory_space<vmem>>, vector<16xi32>,
    %get3A_294 = arith.constant 128 : index
    %get3A_295 = tpu.vector_load %arg8[%get3A_294] {strides = array<i32>} : memref<512xi32, #tpu.memory_space<vmem>>, vector<16xi32>,
    %get3A_296 = arith.constant 128 : index
    %get3A_297 = tpu.vector_load %arg9[%get3A_296] {strides = array<i32>} : memref<512xi32, #tpu.memory_space<vmem>>, vector<16xi32>,
    %mul3A_298 = arith.constant 4 : i32
    %mul3A_299 = vector.broadcast %mul3A_298 : i32 to vector<16xi32>
    %mul3A_300 = arith.muli %mul3A_299, %iota3A : vector<16xi32>
    %add3A_301 = arith.constant 512 : i32
    %add3A_302 = vector.broadcast %add3A_301 : i32 to vector<16xi32>
    %add3A_303 = arith.addi %add3A_302, %mul3A_300 : vector<16xi32>
    tpu.vector_store_idx %arg10[%add3A_303], %get3A_293 : memref<2048xi32, #tpu.memory_space<vmem>>[vector<16xi32>], vector<16xi32>,
    %add3A_304 = arith.constant 1 : i32
    %add3A_305 = vector.broadcast %add3A_304 : i32 to vector<16xi32>
    %add3A_306 = arith.addi %add3A_303, %add3A_305 : vector<16xi32>
    %add3A_307 = arith.constant 100 : i32
    %add3A_308 = vector.broadcast %add3A_307 : i32 to vector<16xi32>
    %add3A_309 = arith.addi %get3A_295, %add3A_308 : vector<16xi32>
    tpu.vector_store_idx %arg10[%add3A_306], %add3A_309 : memref<2048xi32, #tpu.memory_space<vmem>>[vector<16xi32>], vector<16xi32>,
    %add3A_310 = arith.constant 2 : i32
    %add3A_311 = vector.broadcast %add3A_310 : i32 to vector<16xi32>
    %add3A_312 = arith.addi %add3A_303, %add3A_311 : vector<16xi32>
    %mul3A_313 = arith.constant 2 : i32
    %mul3A_314 = vector.broadcast %mul3A_313 : i32 to vector<16xi32>
    %mul3A_315 = arith.muli %mul3A_314, %get3A_297 : vector<16xi32>
    %add3A_316 = arith.constant 200 : i32
    %add3A_317 = vector.broadcast %add3A_316 : i32 to vector<16xi32>
    %add3A_318 = arith.addi %mul3A_315, %add3A_317 : vector<16xi32>
    tpu.vector_store_idx %arg10[%add3A_312], %add3A_318 : memref<2048xi32, #tpu.memory_space<vmem>>[vector<16xi32>], vector<16xi32>,
    %add3A_319 = arith.constant 3 : i32
    %add3A_320 = vector.broadcast %add3A_319 : i32 to vector<16xi32>
    %add3A_321 = arith.addi %add3A_303, %add3A_320 : vector<16xi32>
    %mul3A_322 = arith.constant 2 : i32
    %mul3A_323 = vector.broadcast %mul3A_322 : i32 to vector<16xi32>
    %mul3A_324 = arith.muli %mul3A_323, %get3A_297 : vector<16xi32>
    %add3A_325 = arith.constant 201 : i32
    %add3A_326 = vector.broadcast %add3A_325 : i32 to vector<16xi32>
    %add3A_327 = arith.addi %mul3A_324, %add3A_326 : vector<16xi32>
    tpu.vector_store_idx %arg10[%add3A_321], %add3A_327 : memref<2048xi32, #tpu.memory_space<vmem>>[vector<16xi32>], vector<16xi32>,
    %get3A_328 = arith.constant 144 : index
    %get3A_329 = tpu.vector_load %arg7[%get3A_328] {strides = array<i32>} : memref<512xi32, #tpu.memory_space<vmem>>, vector<16xi32>,
    %get3A_330 = arith.constant 144 : index
    %get3A_331 = tpu.vector_load %arg8[%get3A_330] {strides = array<i32>} : memref<512xi32, #tpu.memory_space<vmem>>, vector<16xi32>,
    %get3A_332 = arith.constant 144 : index
    %get3A_333 = tpu.vector_load %arg9[%get3A_332] {strides = array<i32>} : memref<512xi32, #tpu.memory_space<vmem>>, vector<16xi32>,
    %mul3A_334 = arith.constant 4 : i32
    %mul3A_335 = vector.broadcast %mul3A_334 : i32 to vector<16xi32>
    %mul3A_336 = arith.muli %mul3A_335, %iota3A : vector<16xi32>
    %add3A_337 = arith.constant 576 : i32
    %add3A_338 = vector.broadcast %add3A_337 : i32 to vector<16xi32>
    %add3A_339 = arith.addi %add3A_338, %mul3A_336 : vector<16xi32>
    tpu.vector_store_idx %arg10[%add3A_339], %get3A_329 : memref<2048xi32, #tpu.memory_space<vmem>>[vector<16xi32>], vector<16xi32>,
    %add3A_340 = arith.constant 1 : i32
    %add3A_341 = vector.broadcast %add3A_340 : i32 to vector<16xi32>
    %add3A_342 = arith.addi %add3A_339, %add3A_341 : vector<16xi32>
    %add3A_343 = arith.constant 100 : i32
    %add3A_344 = vector.broadcast %add3A_343 : i32 to vector<16xi32>
    %add3A_345 = arith.addi %get3A_331, %add3A_344 : vector<16xi32>
    tpu.vector_store_idx %arg10[%add3A_342], %add3A_345 : memref<2048xi32, #tpu.memory_space<vmem>>[vector<16xi32>], vector<16xi32>,
    %add3A_346 = arith.constant 2 : i32
    %add3A_347 = vector.broadcast %add3A_346 : i32 to vector<16xi32>
    %add3A_348 = arith.addi %add3A_339, %add3A_347 : vector<16xi32>
    %mul3A_349 = arith.constant 2 : i32
    %mul3A_350 = vector.broadcast %mul3A_349 : i32 to vector<16xi32>
    %mul3A_351 = arith.muli %mul3A_350, %get3A_333 : vector<16xi32>
    %add3A_352 = arith.constant 200 : i32
    %add3A_353 = vector.broadcast %add3A_352 : i32 to vector<16xi32>
    %add3A_354 = arith.addi %mul3A_351, %add3A_353 : vector<16xi32>
    tpu.vector_store_idx %arg10[%add3A_348], %add3A_354 : memref<2048xi32, #tpu.memory_space<vmem>>[vector<16xi32>], vector<16xi32>,
    %add3A_355 = arith.constant 3 : i32
    %add3A_356 = vector.broadcast %add3A_355 : i32 to vector<16xi32>
    %add3A_357 = arith.addi %add3A_339, %add3A_356 : vector<16xi32>
    %mul3A_358 = arith.constant 2 : i32
    %mul3A_359 = vector.broadcast %mul3A_358 : i32 to vector<16xi32>
    %mul3A_360 = arith.muli %mul3A_359, %get3A_333 : vector<16xi32>
    %add3A_361 = arith.constant 201 : i32
    %add3A_362 = vector.broadcast %add3A_361 : i32 to vector<16xi32>
    %add3A_363 = arith.addi %mul3A_360, %add3A_362 : vector<16xi32>
    tpu.vector_store_idx %arg10[%add3A_357], %add3A_363 : memref<2048xi32, #tpu.memory_space<vmem>>[vector<16xi32>], vector<16xi32>,
    %get3A_364 = arith.constant 160 : index
    %get3A_365 = tpu.vector_load %arg7[%get3A_364] {strides = array<i32>} : memref<512xi32, #tpu.memory_space<vmem>>, vector<16xi32>,
    %get3A_366 = arith.constant 160 : index
    %get3A_367 = tpu.vector_load %arg8[%get3A_366] {strides = array<i32>} : memref<512xi32, #tpu.memory_space<vmem>>, vector<16xi32>,
    %get3A_368 = arith.constant 160 : index
    %get3A_369 = tpu.vector_load %arg9[%get3A_368] {strides = array<i32>} : memref<512xi32, #tpu.memory_space<vmem>>, vector<16xi32>,
    %mul3A_370 = arith.constant 4 : i32
    %mul3A_371 = vector.broadcast %mul3A_370 : i32 to vector<16xi32>
    %mul3A_372 = arith.muli %mul3A_371, %iota3A : vector<16xi32>
    %add3A_373 = arith.constant 640 : i32
    %add3A_374 = vector.broadcast %add3A_373 : i32 to vector<16xi32>
    %add3A_375 = arith.addi %add3A_374, %mul3A_372 : vector<16xi32>
    tpu.vector_store_idx %arg10[%add3A_375], %get3A_365 : memref<2048xi32, #tpu.memory_space<vmem>>[vector<16xi32>], vector<16xi32>,
    %add3A_376 = arith.constant 1 : i32
    %add3A_377 = vector.broadcast %add3A_376 : i32 to vector<16xi32>
    %add3A_378 = arith.addi %add3A_375, %add3A_377 : vector<16xi32>
    %add3A_379 = arith.constant 100 : i32
    %add3A_380 = vector.broadcast %add3A_379 : i32 to vector<16xi32>
    %add3A_381 = arith.addi %get3A_367, %add3A_380 : vector<16xi32>
    tpu.vector_store_idx %arg10[%add3A_378], %add3A_381 : memref<2048xi32, #tpu.memory_space<vmem>>[vector<16xi32>], vector<16xi32>,
    %add3A_382 = arith.constant 2 : i32
    %add3A_383 = vector.broadcast %add3A_382 : i32 to vector<16xi32>
    %add3A_384 = arith.addi %add3A_375, %add3A_383 : vector<16xi32>
    %mul3A_385 = arith.constant 2 : i32
    %mul3A_386 = vector.broadcast %mul3A_385 : i32 to vector<16xi32>
    %mul3A_387 = arith.muli %mul3A_386, %get3A_369 : vector<16xi32>
    %add3A_388 = arith.constant 200 : i32
    %add3A_389 = vector.broadcast %add3A_388 : i32 to vector<16xi32>
    %add3A_390 = arith.addi %mul3A_387, %add3A_389 : vector<16xi32>
    tpu.vector_store_idx %arg10[%add3A_384], %add3A_390 : memref<2048xi32, #tpu.memory_space<vmem>>[vector<16xi32>], vector<16xi32>,
    %add3A_391 = arith.constant 3 : i32
    %add3A_392 = vector.broadcast %add3A_391 : i32 to vector<16xi32>
    %add3A_393 = arith.addi %add3A_375, %add3A_392 : vector<16xi32>
    %mul3A_394 = arith.constant 2 : i32
    %mul3A_395 = vector.broadcast %mul3A_394 : i32 to vector<16xi32>
    %mul3A_396 = arith.muli %mul3A_395, %get3A_369 : vector<16xi32>
    %add3A_397 = arith.constant 201 : i32
    %add3A_398 = vector.broadcast %add3A_397 : i32 to vector<16xi32>
    %add3A_399 = arith.addi %mul3A_396, %add3A_398 : vector<16xi32>
    tpu.vector_store_idx %arg10[%add3A_393], %add3A_399 : memref<2048xi32, #tpu.memory_space<vmem>>[vector<16xi32>], vector<16xi32>,
    %get3A_400 = arith.constant 176 : index
    %get3A_401 = tpu.vector_load %arg7[%get3A_400] {strides = array<i32>} : memref<512xi32, #tpu.memory_space<vmem>>, vector<16xi32>,
    %get3A_402 = arith.constant 176 : index
    %get3A_403 = tpu.vector_load %arg8[%get3A_402] {strides = array<i32>} : memref<512xi32, #tpu.memory_space<vmem>>, vector<16xi32>,
    %get3A_404 = arith.constant 176 : index
    %get3A_405 = tpu.vector_load %arg9[%get3A_404] {strides = array<i32>} : memref<512xi32, #tpu.memory_space<vmem>>, vector<16xi32>,
    %mul3A_406 = arith.constant 4 : i32
    %mul3A_407 = vector.broadcast %mul3A_406 : i32 to vector<16xi32>
    %mul3A_408 = arith.muli %mul3A_407, %iota3A : vector<16xi32>
    %add3A_409 = arith.constant 704 : i32
    %add3A_410 = vector.broadcast %add3A_409 : i32 to vector<16xi32>
    %add3A_411 = arith.addi %add3A_410, %mul3A_408 : vector<16xi32>
    tpu.vector_store_idx %arg10[%add3A_411], %get3A_401 : memref<2048xi32, #tpu.memory_space<vmem>>[vector<16xi32>], vector<16xi32>,
    %add3A_412 = arith.constant 1 : i32
    %add3A_413 = vector.broadcast %add3A_412 : i32 to vector<16xi32>
    %add3A_414 = arith.addi %add3A_411, %add3A_413 : vector<16xi32>
    %add3A_415 = arith.constant 100 : i32
    %add3A_416 = vector.broadcast %add3A_415 : i32 to vector<16xi32>
    %add3A_417 = arith.addi %get3A_403, %add3A_416 : vector<16xi32>
    tpu.vector_store_idx %arg10[%add3A_414], %add3A_417 : memref<2048xi32, #tpu.memory_space<vmem>>[vector<16xi32>], vector<16xi32>,
    %add3A_418 = arith.constant 2 : i32
    %add3A_419 = vector.broadcast %add3A_418 : i32 to vector<16xi32>
    %add3A_420 = arith.addi %add3A_411, %add3A_419 : vector<16xi32>
    %mul3A_421 = arith.constant 2 : i32
    %mul3A_422 = vector.broadcast %mul3A_421 : i32 to vector<16xi32>
    %mul3A_423 = arith.muli %mul3A_422, %get3A_405 : vector<16xi32>
    %add3A_424 = arith.constant 200 : i32
    %add3A_425 = vector.broadcast %add3A_424 : i32 to vector<16xi32>
    %add3A_426 = arith.addi %mul3A_423, %add3A_425 : vector<16xi32>
    tpu.vector_store_idx %arg10[%add3A_420], %add3A_426 : memref<2048xi32, #tpu.memory_space<vmem>>[vector<16xi32>], vector<16xi32>,
    %add3A_427 = arith.constant 3 : i32
    %add3A_428 = vector.broadcast %add3A_427 : i32 to vector<16xi32>
    %add3A_429 = arith.addi %add3A_411, %add3A_428 : vector<16xi32>
    %mul3A_430 = arith.constant 2 : i32
    %mul3A_431 = vector.broadcast %mul3A_430 : i32 to vector<16xi32>
    %mul3A_432 = arith.muli %mul3A_431, %get3A_405 : vector<16xi32>
    %add3A_433 = arith.constant 201 : i32
    %add3A_434 = vector.broadcast %add3A_433 : i32 to vector<16xi32>
    %add3A_435 = arith.addi %mul3A_432, %add3A_434 : vector<16xi32>
    tpu.vector_store_idx %arg10[%add3A_429], %add3A_435 : memref<2048xi32, #tpu.memory_space<vmem>>[vector<16xi32>], vector<16xi32>,
    %get3A_436 = arith.constant 192 : index
    %get3A_437 = tpu.vector_load %arg7[%get3A_436] {strides = array<i32>} : memref<512xi32, #tpu.memory_space<vmem>>, vector<16xi32>,
    %get3A_438 = arith.constant 192 : index
    %get3A_439 = tpu.vector_load %arg8[%get3A_438] {strides = array<i32>} : memref<512xi32, #tpu.memory_space<vmem>>, vector<16xi32>,
    %get3A_440 = arith.constant 192 : index
    %get3A_441 = tpu.vector_load %arg9[%get3A_440] {strides = array<i32>} : memref<512xi32, #tpu.memory_space<vmem>>, vector<16xi32>,
    %mul3A_442 = arith.constant 4 : i32
    %mul3A_443 = vector.broadcast %mul3A_442 : i32 to vector<16xi32>
    %mul3A_444 = arith.muli %mul3A_443, %iota3A : vector<16xi32>
    %add3A_445 = arith.constant 768 : i32
    %add3A_446 = vector.broadcast %add3A_445 : i32 to vector<16xi32>
    %add3A_447 = arith.addi %add3A_446, %mul3A_444 : vector<16xi32>
    tpu.vector_store_idx %arg10[%add3A_447], %get3A_437 : memref<2048xi32, #tpu.memory_space<vmem>>[vector<16xi32>], vector<16xi32>,
    %add3A_448 = arith.constant 1 : i32
    %add3A_449 = vector.broadcast %add3A_448 : i32 to vector<16xi32>
    %add3A_450 = arith.addi %add3A_447, %add3A_449 : vector<16xi32>
    %add3A_451 = arith.constant 100 : i32
    %add3A_452 = vector.broadcast %add3A_451 : i32 to vector<16xi32>
    %add3A_453 = arith.addi %get3A_439, %add3A_452 : vector<16xi32>
    tpu.vector_store_idx %arg10[%add3A_450], %add3A_453 : memref<2048xi32, #tpu.memory_space<vmem>>[vector<16xi32>], vector<16xi32>,
    %add3A_454 = arith.constant 2 : i32
    %add3A_455 = vector.broadcast %add3A_454 : i32 to vector<16xi32>
    %add3A_456 = arith.addi %add3A_447, %add3A_455 : vector<16xi32>
    %mul3A_457 = arith.constant 2 : i32
    %mul3A_458 = vector.broadcast %mul3A_457 : i32 to vector<16xi32>
    %mul3A_459 = arith.muli %mul3A_458, %get3A_441 : vector<16xi32>
    %add3A_460 = arith.constant 200 : i32
    %add3A_461 = vector.broadcast %add3A_460 : i32 to vector<16xi32>
    %add3A_462 = arith.addi %mul3A_459, %add3A_461 : vector<16xi32>
    tpu.vector_store_idx %arg10[%add3A_456], %add3A_462 : memref<2048xi32, #tpu.memory_space<vmem>>[vector<16xi32>], vector<16xi32>,
    %add3A_463 = arith.constant 3 : i32
    %add3A_464 = vector.broadcast %add3A_463 : i32 to vector<16xi32>
    %add3A_465 = arith.addi %add3A_447, %add3A_464 : vector<16xi32>
    %mul3A_466 = arith.constant 2 : i32
    %mul3A_467 = vector.broadcast %mul3A_466 : i32 to vector<16xi32>
    %mul3A_468 = arith.muli %mul3A_467, %get3A_441 : vector<16xi32>
    %add3A_469 = arith.constant 201 : i32
    %add3A_470 = vector.broadcast %add3A_469 : i32 to vector<16xi32>
    %add3A_471 = arith.addi %mul3A_468, %add3A_470 : vector<16xi32>
    tpu.vector_store_idx %arg10[%add3A_465], %add3A_471 : memref<2048xi32, #tpu.memory_space<vmem>>[vector<16xi32>], vector<16xi32>,
    %get3A_472 = arith.constant 208 : index
    %get3A_473 = tpu.vector_load %arg7[%get3A_472] {strides = array<i32>} : memref<512xi32, #tpu.memory_space<vmem>>, vector<16xi32>,
    %get3A_474 = arith.constant 208 : index
    %get3A_475 = tpu.vector_load %arg8[%get3A_474] {strides = array<i32>} : memref<512xi32, #tpu.memory_space<vmem>>, vector<16xi32>,
    %get3A_476 = arith.constant 208 : index
    %get3A_477 = tpu.vector_load %arg9[%get3A_476] {strides = array<i32>} : memref<512xi32, #tpu.memory_space<vmem>>, vector<16xi32>,
    %mul3A_478 = arith.constant 4 : i32
    %mul3A_479 = vector.broadcast %mul3A_478 : i32 to vector<16xi32>
    %mul3A_480 = arith.muli %mul3A_479, %iota3A : vector<16xi32>
    %add3A_481 = arith.constant 832 : i32
    %add3A_482 = vector.broadcast %add3A_481 : i32 to vector<16xi32>
    %add3A_483 = arith.addi %add3A_482, %mul3A_480 : vector<16xi32>
    tpu.vector_store_idx %arg10[%add3A_483], %get3A_473 : memref<2048xi32, #tpu.memory_space<vmem>>[vector<16xi32>], vector<16xi32>,
    %add3A_484 = arith.constant 1 : i32
    %add3A_485 = vector.broadcast %add3A_484 : i32 to vector<16xi32>
    %add3A_486 = arith.addi %add3A_483, %add3A_485 : vector<16xi32>
    %add3A_487 = arith.constant 100 : i32
    %add3A_488 = vector.broadcast %add3A_487 : i32 to vector<16xi32>
    %add3A_489 = arith.addi %get3A_475, %add3A_488 : vector<16xi32>
    tpu.vector_store_idx %arg10[%add3A_486], %add3A_489 : memref<2048xi32, #tpu.memory_space<vmem>>[vector<16xi32>], vector<16xi32>,
    %add3A_490 = arith.constant 2 : i32
    %add3A_491 = vector.broadcast %add3A_490 : i32 to vector<16xi32>
    %add3A_492 = arith.addi %add3A_483, %add3A_491 : vector<16xi32>
    %mul3A_493 = arith.constant 2 : i32
    %mul3A_494 = vector.broadcast %mul3A_493 : i32 to vector<16xi32>
    %mul3A_495 = arith.muli %mul3A_494, %get3A_477 : vector<16xi32>
    %add3A_496 = arith.constant 200 : i32
    %add3A_497 = vector.broadcast %add3A_496 : i32 to vector<16xi32>
    %add3A_498 = arith.addi %mul3A_495, %add3A_497 : vector<16xi32>
    tpu.vector_store_idx %arg10[%add3A_492], %add3A_498 : memref<2048xi32, #tpu.memory_space<vmem>>[vector<16xi32>], vector<16xi32>,
    %add3A_499 = arith.constant 3 : i32
    %add3A_500 = vector.broadcast %add3A_499 : i32 to vector<16xi32>
    %add3A_501 = arith.addi %add3A_483, %add3A_500 : vector<16xi32>
    %mul3A_502 = arith.constant 2 : i32
    %mul3A_503 = vector.broadcast %mul3A_502 : i32 to vector<16xi32>
    %mul3A_504 = arith.muli %mul3A_503, %get3A_477 : vector<16xi32>
    %add3A_505 = arith.constant 201 : i32
    %add3A_506 = vector.broadcast %add3A_505 : i32 to vector<16xi32>
    %add3A_507 = arith.addi %mul3A_504, %add3A_506 : vector<16xi32>
    tpu.vector_store_idx %arg10[%add3A_501], %add3A_507 : memref<2048xi32, #tpu.memory_space<vmem>>[vector<16xi32>], vector<16xi32>,
    %get3A_508 = arith.constant 224 : index
    %get3A_509 = tpu.vector_load %arg7[%get3A_508] {strides = array<i32>} : memref<512xi32, #tpu.memory_space<vmem>>, vector<16xi32>,
    %get3A_510 = arith.constant 224 : index
    %get3A_511 = tpu.vector_load %arg8[%get3A_510] {strides = array<i32>} : memref<512xi32, #tpu.memory_space<vmem>>, vector<16xi32>,
    %get3A_512 = arith.constant 224 : index
    %get3A_513 = tpu.vector_load %arg9[%get3A_512] {strides = array<i32>} : memref<512xi32, #tpu.memory_space<vmem>>, vector<16xi32>,
    %mul3A_514 = arith.constant 4 : i32
    %mul3A_515 = vector.broadcast %mul3A_514 : i32 to vector<16xi32>
    %mul3A_516 = arith.muli %mul3A_515, %iota3A : vector<16xi32>
    %add3A_517 = arith.constant 896 : i32
    %add3A_518 = vector.broadcast %add3A_517 : i32 to vector<16xi32>
    %add3A_519 = arith.addi %add3A_518, %mul3A_516 : vector<16xi32>
    tpu.vector_store_idx %arg10[%add3A_519], %get3A_509 : memref<2048xi32, #tpu.memory_space<vmem>>[vector<16xi32>], vector<16xi32>,
    %add3A_520 = arith.constant 1 : i32
    %add3A_521 = vector.broadcast %add3A_520 : i32 to vector<16xi32>
    %add3A_522 = arith.addi %add3A_519, %add3A_521 : vector<16xi32>
    %add3A_523 = arith.constant 100 : i32
    %add3A_524 = vector.broadcast %add3A_523 : i32 to vector<16xi32>
    %add3A_525 = arith.addi %get3A_511, %add3A_524 : vector<16xi32>
    tpu.vector_store_idx %arg10[%add3A_522], %add3A_525 : memref<2048xi32, #tpu.memory_space<vmem>>[vector<16xi32>], vector<16xi32>,
    %add3A_526 = arith.constant 2 : i32
    %add3A_527 = vector.broadcast %add3A_526 : i32 to vector<16xi32>
    %add3A_528 = arith.addi %add3A_519, %add3A_527 : vector<16xi32>
    %mul3A_529 = arith.constant 2 : i32
    %mul3A_530 = vector.broadcast %mul3A_529 : i32 to vector<16xi32>
    %mul3A_531 = arith.muli %mul3A_530, %get3A_513 : vector<16xi32>
    %add3A_532 = arith.constant 200 : i32
    %add3A_533 = vector.broadcast %add3A_532 : i32 to vector<16xi32>
    %add3A_534 = arith.addi %mul3A_531, %add3A_533 : vector<16xi32>
    tpu.vector_store_idx %arg10[%add3A_528], %add3A_534 : memref<2048xi32, #tpu.memory_space<vmem>>[vector<16xi32>], vector<16xi32>,
    %add3A_535 = arith.constant 3 : i32
    %add3A_536 = vector.broadcast %add3A_535 : i32 to vector<16xi32>
    %add3A_537 = arith.addi %add3A_519, %add3A_536 : vector<16xi32>
    %mul3A_538 = arith.constant 2 : i32
    %mul3A_539 = vector.broadcast %mul3A_538 : i32 to vector<16xi32>
    %mul3A_540 = arith.muli %mul3A_539, %get3A_513 : vector<16xi32>
    %add3A_541 = arith.constant 201 : i32
    %add3A_542 = vector.broadcast %add3A_541 : i32 to vector<16xi32>
    %add3A_543 = arith.addi %mul3A_540, %add3A_542 : vector<16xi32>
    tpu.vector_store_idx %arg10[%add3A_537], %add3A_543 : memref<2048xi32, #tpu.memory_space<vmem>>[vector<16xi32>], vector<16xi32>,
    %get3A_544 = arith.constant 240 : index
    %get3A_545 = tpu.vector_load %arg7[%get3A_544] {strides = array<i32>} : memref<512xi32, #tpu.memory_space<vmem>>, vector<16xi32>,
    %get3A_546 = arith.constant 240 : index
    %get3A_547 = tpu.vector_load %arg8[%get3A_546] {strides = array<i32>} : memref<512xi32, #tpu.memory_space<vmem>>, vector<16xi32>,
    %get3A_548 = arith.constant 240 : index
    %get3A_549 = tpu.vector_load %arg9[%get3A_548] {strides = array<i32>} : memref<512xi32, #tpu.memory_space<vmem>>, vector<16xi32>,
    %mul3A_550 = arith.constant 4 : i32
    %mul3A_551 = vector.broadcast %mul3A_550 : i32 to vector<16xi32>
    %mul3A_552 = arith.muli %mul3A_551, %iota3A : vector<16xi32>
    %add3A_553 = arith.constant 960 : i32
    %add3A_554 = vector.broadcast %add3A_553 : i32 to vector<16xi32>
    %add3A_555 = arith.addi %add3A_554, %mul3A_552 : vector<16xi32>
    tpu.vector_store_idx %arg10[%add3A_555], %get3A_545 : memref<2048xi32, #tpu.memory_space<vmem>>[vector<16xi32>], vector<16xi32>,
    %add3A_556 = arith.constant 1 : i32
    %add3A_557 = vector.broadcast %add3A_556 : i32 to vector<16xi32>
    %add3A_558 = arith.addi %add3A_555, %add3A_557 : vector<16xi32>
    %add3A_559 = arith.constant 100 : i32
    %add3A_560 = vector.broadcast %add3A_559 : i32 to vector<16xi32>
    %add3A_561 = arith.addi %get3A_547, %add3A_560 : vector<16xi32>
    tpu.vector_store_idx %arg10[%add3A_558], %add3A_561 : memref<2048xi32, #tpu.memory_space<vmem>>[vector<16xi32>], vector<16xi32>,
    %add3A_562 = arith.constant 2 : i32
    %add3A_563 = vector.broadcast %add3A_562 : i32 to vector<16xi32>
    %add3A_564 = arith.addi %add3A_555, %add3A_563 : vector<16xi32>
    %mul3A_565 = arith.constant 2 : i32
    %mul3A_566 = vector.broadcast %mul3A_565 : i32 to vector<16xi32>
    %mul3A_567 = arith.muli %mul3A_566, %get3A_549 : vector<16xi32>
    %add3A_568 = arith.constant 200 : i32
    %add3A_569 = vector.broadcast %add3A_568 : i32 to vector<16xi32>
    %add3A_570 = arith.addi %mul3A_567, %add3A_569 : vector<16xi32>
    tpu.vector_store_idx %arg10[%add3A_564], %add3A_570 : memref<2048xi32, #tpu.memory_space<vmem>>[vector<16xi32>], vector<16xi32>,
    %add3A_571 = arith.constant 3 : i32
    %add3A_572 = vector.broadcast %add3A_571 : i32 to vector<16xi32>
    %add3A_573 = arith.addi %add3A_555, %add3A_572 : vector<16xi32>
    %mul3A_574 = arith.constant 2 : i32
    %mul3A_575 = vector.broadcast %mul3A_574 : i32 to vector<16xi32>
    %mul3A_576 = arith.muli %mul3A_575, %get3A_549 : vector<16xi32>
    %add3A_577 = arith.constant 201 : i32
    %add3A_578 = vector.broadcast %add3A_577 : i32 to vector<16xi32>
    %add3A_579 = arith.addi %mul3A_576, %add3A_578 : vector<16xi32>
    tpu.vector_store_idx %arg10[%add3A_573], %add3A_579 : memref<2048xi32, #tpu.memory_space<vmem>>[vector<16xi32>], vector<16xi32>,
    %get3A_580 = arith.constant 256 : index
    %get3A_581 = tpu.vector_load %arg7[%get3A_580] {strides = array<i32>} : memref<512xi32, #tpu.memory_space<vmem>>, vector<16xi32>,
    %get3A_582 = arith.constant 256 : index
    %get3A_583 = tpu.vector_load %arg8[%get3A_582] {strides = array<i32>} : memref<512xi32, #tpu.memory_space<vmem>>, vector<16xi32>,
    %get3A_584 = arith.constant 256 : index
    %get3A_585 = tpu.vector_load %arg9[%get3A_584] {strides = array<i32>} : memref<512xi32, #tpu.memory_space<vmem>>, vector<16xi32>,
    %mul3A_586 = arith.constant 4 : i32
    %mul3A_587 = vector.broadcast %mul3A_586 : i32 to vector<16xi32>
    %mul3A_588 = arith.muli %mul3A_587, %iota3A : vector<16xi32>
    %add3A_589 = arith.constant 1024 : i32
    %add3A_590 = vector.broadcast %add3A_589 : i32 to vector<16xi32>
    %add3A_591 = arith.addi %add3A_590, %mul3A_588 : vector<16xi32>
    tpu.vector_store_idx %arg10[%add3A_591], %get3A_581 : memref<2048xi32, #tpu.memory_space<vmem>>[vector<16xi32>], vector<16xi32>,
    %add3A_592 = arith.constant 1 : i32
    %add3A_593 = vector.broadcast %add3A_592 : i32 to vector<16xi32>
    %add3A_594 = arith.addi %add3A_591, %add3A_593 : vector<16xi32>
    %add3A_595 = arith.constant 100 : i32
    %add3A_596 = vector.broadcast %add3A_595 : i32 to vector<16xi32>
    %add3A_597 = arith.addi %get3A_583, %add3A_596 : vector<16xi32>
    tpu.vector_store_idx %arg10[%add3A_594], %add3A_597 : memref<2048xi32, #tpu.memory_space<vmem>>[vector<16xi32>], vector<16xi32>,
    %add3A_598 = arith.constant 2 : i32
    %add3A_599 = vector.broadcast %add3A_598 : i32 to vector<16xi32>
    %add3A_600 = arith.addi %add3A_591, %add3A_599 : vector<16xi32>
    %mul3A_601 = arith.constant 2 : i32
    %mul3A_602 = vector.broadcast %mul3A_601 : i32 to vector<16xi32>
    %mul3A_603 = arith.muli %mul3A_602, %get3A_585 : vector<16xi32>
    %add3A_604 = arith.constant 200 : i32
    %add3A_605 = vector.broadcast %add3A_604 : i32 to vector<16xi32>
    %add3A_606 = arith.addi %mul3A_603, %add3A_605 : vector<16xi32>
    tpu.vector_store_idx %arg10[%add3A_600], %add3A_606 : memref<2048xi32, #tpu.memory_space<vmem>>[vector<16xi32>], vector<16xi32>,
    %add3A_607 = arith.constant 3 : i32
    %add3A_608 = vector.broadcast %add3A_607 : i32 to vector<16xi32>
    %add3A_609 = arith.addi %add3A_591, %add3A_608 : vector<16xi32>
    %mul3A_610 = arith.constant 2 : i32
    %mul3A_611 = vector.broadcast %mul3A_610 : i32 to vector<16xi32>
    %mul3A_612 = arith.muli %mul3A_611, %get3A_585 : vector<16xi32>
    %add3A_613 = arith.constant 201 : i32
    %add3A_614 = vector.broadcast %add3A_613 : i32 to vector<16xi32>
    %add3A_615 = arith.addi %mul3A_612, %add3A_614 : vector<16xi32>
    tpu.vector_store_idx %arg10[%add3A_609], %add3A_615 : memref<2048xi32, #tpu.memory_space<vmem>>[vector<16xi32>], vector<16xi32>,
    %get3A_616 = arith.constant 272 : index
    %get3A_617 = tpu.vector_load %arg7[%get3A_616] {strides = array<i32>} : memref<512xi32, #tpu.memory_space<vmem>>, vector<16xi32>,
    %get3A_618 = arith.constant 272 : index
    %get3A_619 = tpu.vector_load %arg8[%get3A_618] {strides = array<i32>} : memref<512xi32, #tpu.memory_space<vmem>>, vector<16xi32>,
    %get3A_620 = arith.constant 272 : index
    %get3A_621 = tpu.vector_load %arg9[%get3A_620] {strides = array<i32>} : memref<512xi32, #tpu.memory_space<vmem>>, vector<16xi32>,
    %mul3A_622 = arith.constant 4 : i32
    %mul3A_623 = vector.broadcast %mul3A_622 : i32 to vector<16xi32>
    %mul3A_624 = arith.muli %mul3A_623, %iota3A : vector<16xi32>
    %add3A_625 = arith.constant 1088 : i32
    %add3A_626 = vector.broadcast %add3A_625 : i32 to vector<16xi32>
    %add3A_627 = arith.addi %add3A_626, %mul3A_624 : vector<16xi32>
    tpu.vector_store_idx %arg10[%add3A_627], %get3A_617 : memref<2048xi32, #tpu.memory_space<vmem>>[vector<16xi32>], vector<16xi32>,
    %add3A_628 = arith.constant 1 : i32
    %add3A_629 = vector.broadcast %add3A_628 : i32 to vector<16xi32>
    %add3A_630 = arith.addi %add3A_627, %add3A_629 : vector<16xi32>
    %add3A_631 = arith.constant 100 : i32
    %add3A_632 = vector.broadcast %add3A_631 : i32 to vector<16xi32>
    %add3A_633 = arith.addi %get3A_619, %add3A_632 : vector<16xi32>
    tpu.vector_store_idx %arg10[%add3A_630], %add3A_633 : memref<2048xi32, #tpu.memory_space<vmem>>[vector<16xi32>], vector<16xi32>,
    %add3A_634 = arith.constant 2 : i32
    %add3A_635 = vector.broadcast %add3A_634 : i32 to vector<16xi32>
    %add3A_636 = arith.addi %add3A_627, %add3A_635 : vector<16xi32>
    %mul3A_637 = arith.constant 2 : i32
    %mul3A_638 = vector.broadcast %mul3A_637 : i32 to vector<16xi32>
    %mul3A_639 = arith.muli %mul3A_638, %get3A_621 : vector<16xi32>
    %add3A_640 = arith.constant 200 : i32
    %add3A_641 = vector.broadcast %add3A_640 : i32 to vector<16xi32>
    %add3A_642 = arith.addi %mul3A_639, %add3A_641 : vector<16xi32>
    tpu.vector_store_idx %arg10[%add3A_636], %add3A_642 : memref<2048xi32, #tpu.memory_space<vmem>>[vector<16xi32>], vector<16xi32>,
    %add3A_643 = arith.constant 3 : i32
    %add3A_644 = vector.broadcast %add3A_643 : i32 to vector<16xi32>
    %add3A_645 = arith.addi %add3A_627, %add3A_644 : vector<16xi32>
    %mul3A_646 = arith.constant 2 : i32
    %mul3A_647 = vector.broadcast %mul3A_646 : i32 to vector<16xi32>
    %mul3A_648 = arith.muli %mul3A_647, %get3A_621 : vector<16xi32>
    %add3A_649 = arith.constant 201 : i32
    %add3A_650 = vector.broadcast %add3A_649 : i32 to vector<16xi32>
    %add3A_651 = arith.addi %mul3A_648, %add3A_650 : vector<16xi32>
    tpu.vector_store_idx %arg10[%add3A_645], %add3A_651 : memref<2048xi32, #tpu.memory_space<vmem>>[vector<16xi32>], vector<16xi32>,
    %get3A_652 = arith.constant 288 : index
    %get3A_653 = tpu.vector_load %arg7[%get3A_652] {strides = array<i32>} : memref<512xi32, #tpu.memory_space<vmem>>, vector<16xi32>,
    %get3A_654 = arith.constant 288 : index
    %get3A_655 = tpu.vector_load %arg8[%get3A_654] {strides = array<i32>} : memref<512xi32, #tpu.memory_space<vmem>>, vector<16xi32>,
    %get3A_656 = arith.constant 288 : index
    %get3A_657 = tpu.vector_load %arg9[%get3A_656] {strides = array<i32>} : memref<512xi32, #tpu.memory_space<vmem>>, vector<16xi32>,
    %mul3A_658 = arith.constant 4 : i32
    %mul3A_659 = vector.broadcast %mul3A_658 : i32 to vector<16xi32>
    %mul3A_660 = arith.muli %mul3A_659, %iota3A : vector<16xi32>
    %add3A_661 = arith.constant 1152 : i32
    %add3A_662 = vector.broadcast %add3A_661 : i32 to vector<16xi32>
    %add3A_663 = arith.addi %add3A_662, %mul3A_660 : vector<16xi32>
    tpu.vector_store_idx %arg10[%add3A_663], %get3A_653 : memref<2048xi32, #tpu.memory_space<vmem>>[vector<16xi32>], vector<16xi32>,
    %add3A_664 = arith.constant 1 : i32
    %add3A_665 = vector.broadcast %add3A_664 : i32 to vector<16xi32>
    %add3A_666 = arith.addi %add3A_663, %add3A_665 : vector<16xi32>
    %add3A_667 = arith.constant 100 : i32
    %add3A_668 = vector.broadcast %add3A_667 : i32 to vector<16xi32>
    %add3A_669 = arith.addi %get3A_655, %add3A_668 : vector<16xi32>
    tpu.vector_store_idx %arg10[%add3A_666], %add3A_669 : memref<2048xi32, #tpu.memory_space<vmem>>[vector<16xi32>], vector<16xi32>,
    %add3A_670 = arith.constant 2 : i32
    %add3A_671 = vector.broadcast %add3A_670 : i32 to vector<16xi32>
    %add3A_672 = arith.addi %add3A_663, %add3A_671 : vector<16xi32>
    %mul3A_673 = arith.constant 2 : i32
    %mul3A_674 = vector.broadcast %mul3A_673 : i32 to vector<16xi32>
    %mul3A_675 = arith.muli %mul3A_674, %get3A_657 : vector<16xi32>
    %add3A_676 = arith.constant 200 : i32
    %add3A_677 = vector.broadcast %add3A_676 : i32 to vector<16xi32>
    %add3A_678 = arith.addi %mul3A_675, %add3A_677 : vector<16xi32>
    tpu.vector_store_idx %arg10[%add3A_672], %add3A_678 : memref<2048xi32, #tpu.memory_space<vmem>>[vector<16xi32>], vector<16xi32>,
    %add3A_679 = arith.constant 3 : i32
    %add3A_680 = vector.broadcast %add3A_679 : i32 to vector<16xi32>
    %add3A_681 = arith.addi %add3A_663, %add3A_680 : vector<16xi32>
    %mul3A_682 = arith.constant 2 : i32
    %mul3A_683 = vector.broadcast %mul3A_682 : i32 to vector<16xi32>
    %mul3A_684 = arith.muli %mul3A_683, %get3A_657 : vector<16xi32>
    %add3A_685 = arith.constant 201 : i32
    %add3A_686 = vector.broadcast %add3A_685 : i32 to vector<16xi32>
    %add3A_687 = arith.addi %mul3A_684, %add3A_686 : vector<16xi32>
    tpu.vector_store_idx %arg10[%add3A_681], %add3A_687 : memref<2048xi32, #tpu.memory_space<vmem>>[vector<16xi32>], vector<16xi32>,
    %get3A_688 = arith.constant 304 : index
    %get3A_689 = tpu.vector_load %arg7[%get3A_688] {strides = array<i32>} : memref<512xi32, #tpu.memory_space<vmem>>, vector<16xi32>,
    %get3A_690 = arith.constant 304 : index
    %get3A_691 = tpu.vector_load %arg8[%get3A_690] {strides = array<i32>} : memref<512xi32, #tpu.memory_space<vmem>>, vector<16xi32>,
    %get3A_692 = arith.constant 304 : index
    %get3A_693 = tpu.vector_load %arg9[%get3A_692] {strides = array<i32>} : memref<512xi32, #tpu.memory_space<vmem>>, vector<16xi32>,
    %mul3A_694 = arith.constant 4 : i32
    %mul3A_695 = vector.broadcast %mul3A_694 : i32 to vector<16xi32>
    %mul3A_696 = arith.muli %mul3A_695, %iota3A : vector<16xi32>
    %add3A_697 = arith.constant 1216 : i32
    %add3A_698 = vector.broadcast %add3A_697 : i32 to vector<16xi32>
    %add3A_699 = arith.addi %add3A_698, %mul3A_696 : vector<16xi32>
    tpu.vector_store_idx %arg10[%add3A_699], %get3A_689 : memref<2048xi32, #tpu.memory_space<vmem>>[vector<16xi32>], vector<16xi32>,
    %add3A_700 = arith.constant 1 : i32
    %add3A_701 = vector.broadcast %add3A_700 : i32 to vector<16xi32>
    %add3A_702 = arith.addi %add3A_699, %add3A_701 : vector<16xi32>
    %add3A_703 = arith.constant 100 : i32
    %add3A_704 = vector.broadcast %add3A_703 : i32 to vector<16xi32>
    %add3A_705 = arith.addi %get3A_691, %add3A_704 : vector<16xi32>
    tpu.vector_store_idx %arg10[%add3A_702], %add3A_705 : memref<2048xi32, #tpu.memory_space<vmem>>[vector<16xi32>], vector<16xi32>,
    %add3A_706 = arith.constant 2 : i32
    %add3A_707 = vector.broadcast %add3A_706 : i32 to vector<16xi32>
    %add3A_708 = arith.addi %add3A_699, %add3A_707 : vector<16xi32>
    %mul3A_709 = arith.constant 2 : i32
    %mul3A_710 = vector.broadcast %mul3A_709 : i32 to vector<16xi32>
    %mul3A_711 = arith.muli %mul3A_710, %get3A_693 : vector<16xi32>
    %add3A_712 = arith.constant 200 : i32
    %add3A_713 = vector.broadcast %add3A_712 : i32 to vector<16xi32>
    %add3A_714 = arith.addi %mul3A_711, %add3A_713 : vector<16xi32>
    tpu.vector_store_idx %arg10[%add3A_708], %add3A_714 : memref<2048xi32, #tpu.memory_space<vmem>>[vector<16xi32>], vector<16xi32>,
    %add3A_715 = arith.constant 3 : i32
    %add3A_716 = vector.broadcast %add3A_715 : i32 to vector<16xi32>
    %add3A_717 = arith.addi %add3A_699, %add3A_716 : vector<16xi32>
    %mul3A_718 = arith.constant 2 : i32
    %mul3A_719 = vector.broadcast %mul3A_718 : i32 to vector<16xi32>
    %mul3A_720 = arith.muli %mul3A_719, %get3A_693 : vector<16xi32>
    %add3A_721 = arith.constant 201 : i32
    %add3A_722 = vector.broadcast %add3A_721 : i32 to vector<16xi32>
    %add3A_723 = arith.addi %mul3A_720, %add3A_722 : vector<16xi32>
    tpu.vector_store_idx %arg10[%add3A_717], %add3A_723 : memref<2048xi32, #tpu.memory_space<vmem>>[vector<16xi32>], vector<16xi32>,
    %get3A_724 = arith.constant 320 : index
    %get3A_725 = tpu.vector_load %arg7[%get3A_724] {strides = array<i32>} : memref<512xi32, #tpu.memory_space<vmem>>, vector<16xi32>,
    %get3A_726 = arith.constant 320 : index
    %get3A_727 = tpu.vector_load %arg8[%get3A_726] {strides = array<i32>} : memref<512xi32, #tpu.memory_space<vmem>>, vector<16xi32>,
    %get3A_728 = arith.constant 320 : index
    %get3A_729 = tpu.vector_load %arg9[%get3A_728] {strides = array<i32>} : memref<512xi32, #tpu.memory_space<vmem>>, vector<16xi32>,
    %mul3A_730 = arith.constant 4 : i32
    %mul3A_731 = vector.broadcast %mul3A_730 : i32 to vector<16xi32>
    %mul3A_732 = arith.muli %mul3A_731, %iota3A : vector<16xi32>
    %add3A_733 = arith.constant 1280 : i32
    %add3A_734 = vector.broadcast %add3A_733 : i32 to vector<16xi32>
    %add3A_735 = arith.addi %add3A_734, %mul3A_732 : vector<16xi32>
    tpu.vector_store_idx %arg10[%add3A_735], %get3A_725 : memref<2048xi32, #tpu.memory_space<vmem>>[vector<16xi32>], vector<16xi32>,
    %add3A_736 = arith.constant 1 : i32
    %add3A_737 = vector.broadcast %add3A_736 : i32 to vector<16xi32>
    %add3A_738 = arith.addi %add3A_735, %add3A_737 : vector<16xi32>
    %add3A_739 = arith.constant 100 : i32
    %add3A_740 = vector.broadcast %add3A_739 : i32 to vector<16xi32>
    %add3A_741 = arith.addi %get3A_727, %add3A_740 : vector<16xi32>
    tpu.vector_store_idx %arg10[%add3A_738], %add3A_741 : memref<2048xi32, #tpu.memory_space<vmem>>[vector<16xi32>], vector<16xi32>,
    %add3A_742 = arith.constant 2 : i32
    %add3A_743 = vector.broadcast %add3A_742 : i32 to vector<16xi32>
    %add3A_744 = arith.addi %add3A_735, %add3A_743 : vector<16xi32>
    %mul3A_745 = arith.constant 2 : i32
    %mul3A_746 = vector.broadcast %mul3A_745 : i32 to vector<16xi32>
    %mul3A_747 = arith.muli %mul3A_746, %get3A_729 : vector<16xi32>
    %add3A_748 = arith.constant 200 : i32
    %add3A_749 = vector.broadcast %add3A_748 : i32 to vector<16xi32>
    %add3A_750 = arith.addi %mul3A_747, %add3A_749 : vector<16xi32>
    tpu.vector_store_idx %arg10[%add3A_744], %add3A_750 : memref<2048xi32, #tpu.memory_space<vmem>>[vector<16xi32>], vector<16xi32>,
    %add3A_751 = arith.constant 3 : i32
    %add3A_752 = vector.broadcast %add3A_751 : i32 to vector<16xi32>
    %add3A_753 = arith.addi %add3A_735, %add3A_752 : vector<16xi32>
    %mul3A_754 = arith.constant 2 : i32
    %mul3A_755 = vector.broadcast %mul3A_754 : i32 to vector<16xi32>
    %mul3A_756 = arith.muli %mul3A_755, %get3A_729 : vector<16xi32>
    %add3A_757 = arith.constant 201 : i32
    %add3A_758 = vector.broadcast %add3A_757 : i32 to vector<16xi32>
    %add3A_759 = arith.addi %mul3A_756, %add3A_758 : vector<16xi32>
    tpu.vector_store_idx %arg10[%add3A_753], %add3A_759 : memref<2048xi32, #tpu.memory_space<vmem>>[vector<16xi32>], vector<16xi32>,
    %get3A_760 = arith.constant 336 : index
    %get3A_761 = tpu.vector_load %arg7[%get3A_760] {strides = array<i32>} : memref<512xi32, #tpu.memory_space<vmem>>, vector<16xi32>,
    %get3A_762 = arith.constant 336 : index
    %get3A_763 = tpu.vector_load %arg8[%get3A_762] {strides = array<i32>} : memref<512xi32, #tpu.memory_space<vmem>>, vector<16xi32>,
    %get3A_764 = arith.constant 336 : index
    %get3A_765 = tpu.vector_load %arg9[%get3A_764] {strides = array<i32>} : memref<512xi32, #tpu.memory_space<vmem>>, vector<16xi32>,
    %mul3A_766 = arith.constant 4 : i32
    %mul3A_767 = vector.broadcast %mul3A_766 : i32 to vector<16xi32>
    %mul3A_768 = arith.muli %mul3A_767, %iota3A : vector<16xi32>
    %add3A_769 = arith.constant 1344 : i32
    %add3A_770 = vector.broadcast %add3A_769 : i32 to vector<16xi32>
    %add3A_771 = arith.addi %add3A_770, %mul3A_768 : vector<16xi32>
    tpu.vector_store_idx %arg10[%add3A_771], %get3A_761 : memref<2048xi32, #tpu.memory_space<vmem>>[vector<16xi32>], vector<16xi32>,
    %add3A_772 = arith.constant 1 : i32
    %add3A_773 = vector.broadcast %add3A_772 : i32 to vector<16xi32>
    %add3A_774 = arith.addi %add3A_771, %add3A_773 : vector<16xi32>
    %add3A_775 = arith.constant 100 : i32
    %add3A_776 = vector.broadcast %add3A_775 : i32 to vector<16xi32>
    %add3A_777 = arith.addi %get3A_763, %add3A_776 : vector<16xi32>
    tpu.vector_store_idx %arg10[%add3A_774], %add3A_777 : memref<2048xi32, #tpu.memory_space<vmem>>[vector<16xi32>], vector<16xi32>,
    %add3A_778 = arith.constant 2 : i32
    %add3A_779 = vector.broadcast %add3A_778 : i32 to vector<16xi32>
    %add3A_780 = arith.addi %add3A_771, %add3A_779 : vector<16xi32>
    %mul3A_781 = arith.constant 2 : i32
    %mul3A_782 = vector.broadcast %mul3A_781 : i32 to vector<16xi32>
    %mul3A_783 = arith.muli %mul3A_782, %get3A_765 : vector<16xi32>
    %add3A_784 = arith.constant 200 : i32
    %add3A_785 = vector.broadcast %add3A_784 : i32 to vector<16xi32>
    %add3A_786 = arith.addi %mul3A_783, %add3A_785 : vector<16xi32>
    tpu.vector_store_idx %arg10[%add3A_780], %add3A_786 : memref<2048xi32, #tpu.memory_space<vmem>>[vector<16xi32>], vector<16xi32>,
    %add3A_787 = arith.constant 3 : i32
    %add3A_788 = vector.broadcast %add3A_787 : i32 to vector<16xi32>
    %add3A_789 = arith.addi %add3A_771, %add3A_788 : vector<16xi32>
    %mul3A_790 = arith.constant 2 : i32
    %mul3A_791 = vector.broadcast %mul3A_790 : i32 to vector<16xi32>
    %mul3A_792 = arith.muli %mul3A_791, %get3A_765 : vector<16xi32>
    %add3A_793 = arith.constant 201 : i32
    %add3A_794 = vector.broadcast %add3A_793 : i32 to vector<16xi32>
    %add3A_795 = arith.addi %mul3A_792, %add3A_794 : vector<16xi32>
    tpu.vector_store_idx %arg10[%add3A_789], %add3A_795 : memref<2048xi32, #tpu.memory_space<vmem>>[vector<16xi32>], vector<16xi32>,
    %get3A_796 = arith.constant 352 : index
    %get3A_797 = tpu.vector_load %arg7[%get3A_796] {strides = array<i32>} : memref<512xi32, #tpu.memory_space<vmem>>, vector<16xi32>,
    %get3A_798 = arith.constant 352 : index
    %get3A_799 = tpu.vector_load %arg8[%get3A_798] {strides = array<i32>} : memref<512xi32, #tpu.memory_space<vmem>>, vector<16xi32>,
    %get3A_800 = arith.constant 352 : index
    %get3A_801 = tpu.vector_load %arg9[%get3A_800] {strides = array<i32>} : memref<512xi32, #tpu.memory_space<vmem>>, vector<16xi32>,
    %mul3A_802 = arith.constant 4 : i32
    %mul3A_803 = vector.broadcast %mul3A_802 : i32 to vector<16xi32>
    %mul3A_804 = arith.muli %mul3A_803, %iota3A : vector<16xi32>
    %add3A_805 = arith.constant 1408 : i32
    %add3A_806 = vector.broadcast %add3A_805 : i32 to vector<16xi32>
    %add3A_807 = arith.addi %add3A_806, %mul3A_804 : vector<16xi32>
    tpu.vector_store_idx %arg10[%add3A_807], %get3A_797 : memref<2048xi32, #tpu.memory_space<vmem>>[vector<16xi32>], vector<16xi32>,
    %add3A_808 = arith.constant 1 : i32
    %add3A_809 = vector.broadcast %add3A_808 : i32 to vector<16xi32>
    %add3A_810 = arith.addi %add3A_807, %add3A_809 : vector<16xi32>
    %add3A_811 = arith.constant 100 : i32
    %add3A_812 = vector.broadcast %add3A_811 : i32 to vector<16xi32>
    %add3A_813 = arith.addi %get3A_799, %add3A_812 : vector<16xi32>
    tpu.vector_store_idx %arg10[%add3A_810], %add3A_813 : memref<2048xi32, #tpu.memory_space<vmem>>[vector<16xi32>], vector<16xi32>,
    %add3A_814 = arith.constant 2 : i32
    %add3A_815 = vector.broadcast %add3A_814 : i32 to vector<16xi32>
    %add3A_816 = arith.addi %add3A_807, %add3A_815 : vector<16xi32>
    %mul3A_817 = arith.constant 2 : i32
    %mul3A_818 = vector.broadcast %mul3A_817 : i32 to vector<16xi32>
    %mul3A_819 = arith.muli %mul3A_818, %get3A_801 : vector<16xi32>
    %add3A_820 = arith.constant 200 : i32
    %add3A_821 = vector.broadcast %add3A_820 : i32 to vector<16xi32>
    %add3A_822 = arith.addi %mul3A_819, %add3A_821 : vector<16xi32>
    tpu.vector_store_idx %arg10[%add3A_816], %add3A_822 : memref<2048xi32, #tpu.memory_space<vmem>>[vector<16xi32>], vector<16xi32>,
    %add3A_823 = arith.constant 3 : i32
    %add3A_824 = vector.broadcast %add3A_823 : i32 to vector<16xi32>
    %add3A_825 = arith.addi %add3A_807, %add3A_824 : vector<16xi32>
    %mul3A_826 = arith.constant 2 : i32
    %mul3A_827 = vector.broadcast %mul3A_826 : i32 to vector<16xi32>
    %mul3A_828 = arith.muli %mul3A_827, %get3A_801 : vector<16xi32>
    %add3A_829 = arith.constant 201 : i32
    %add3A_830 = vector.broadcast %add3A_829 : i32 to vector<16xi32>
    %add3A_831 = arith.addi %mul3A_828, %add3A_830 : vector<16xi32>
    tpu.vector_store_idx %arg10[%add3A_825], %add3A_831 : memref<2048xi32, #tpu.memory_space<vmem>>[vector<16xi32>], vector<16xi32>,
    %get3A_832 = arith.constant 368 : index
    %get3A_833 = tpu.vector_load %arg7[%get3A_832] {strides = array<i32>} : memref<512xi32, #tpu.memory_space<vmem>>, vector<16xi32>,
    %get3A_834 = arith.constant 368 : index
    %get3A_835 = tpu.vector_load %arg8[%get3A_834] {strides = array<i32>} : memref<512xi32, #tpu.memory_space<vmem>>, vector<16xi32>,
    %get3A_836 = arith.constant 368 : index
    %get3A_837 = tpu.vector_load %arg9[%get3A_836] {strides = array<i32>} : memref<512xi32, #tpu.memory_space<vmem>>, vector<16xi32>,
    %mul3A_838 = arith.constant 4 : i32
    %mul3A_839 = vector.broadcast %mul3A_838 : i32 to vector<16xi32>
    %mul3A_840 = arith.muli %mul3A_839, %iota3A : vector<16xi32>
    %add3A_841 = arith.constant 1472 : i32
    %add3A_842 = vector.broadcast %add3A_841 : i32 to vector<16xi32>
    %add3A_843 = arith.addi %add3A_842, %mul3A_840 : vector<16xi32>
    tpu.vector_store_idx %arg10[%add3A_843], %get3A_833 : memref<2048xi32, #tpu.memory_space<vmem>>[vector<16xi32>], vector<16xi32>,
    %add3A_844 = arith.constant 1 : i32
    %add3A_845 = vector.broadcast %add3A_844 : i32 to vector<16xi32>
    %add3A_846 = arith.addi %add3A_843, %add3A_845 : vector<16xi32>
    %add3A_847 = arith.constant 100 : i32
    %add3A_848 = vector.broadcast %add3A_847 : i32 to vector<16xi32>
    %add3A_849 = arith.addi %get3A_835, %add3A_848 : vector<16xi32>
    tpu.vector_store_idx %arg10[%add3A_846], %add3A_849 : memref<2048xi32, #tpu.memory_space<vmem>>[vector<16xi32>], vector<16xi32>,
    %add3A_850 = arith.constant 2 : i32
    %add3A_851 = vector.broadcast %add3A_850 : i32 to vector<16xi32>
    %add3A_852 = arith.addi %add3A_843, %add3A_851 : vector<16xi32>
    %mul3A_853 = arith.constant 2 : i32
    %mul3A_854 = vector.broadcast %mul3A_853 : i32 to vector<16xi32>
    %mul3A_855 = arith.muli %mul3A_854, %get3A_837 : vector<16xi32>
    %add3A_856 = arith.constant 200 : i32
    %add3A_857 = vector.broadcast %add3A_856 : i32 to vector<16xi32>
    %add3A_858 = arith.addi %mul3A_855, %add3A_857 : vector<16xi32>
    tpu.vector_store_idx %arg10[%add3A_852], %add3A_858 : memref<2048xi32, #tpu.memory_space<vmem>>[vector<16xi32>], vector<16xi32>,
    %add3A_859 = arith.constant 3 : i32
    %add3A_860 = vector.broadcast %add3A_859 : i32 to vector<16xi32>
    %add3A_861 = arith.addi %add3A_843, %add3A_860 : vector<16xi32>
    %mul3A_862 = arith.constant 2 : i32
    %mul3A_863 = vector.broadcast %mul3A_862 : i32 to vector<16xi32>
    %mul3A_864 = arith.muli %mul3A_863, %get3A_837 : vector<16xi32>
    %add3A_865 = arith.constant 201 : i32
    %add3A_866 = vector.broadcast %add3A_865 : i32 to vector<16xi32>
    %add3A_867 = arith.addi %mul3A_864, %add3A_866 : vector<16xi32>
    tpu.vector_store_idx %arg10[%add3A_861], %add3A_867 : memref<2048xi32, #tpu.memory_space<vmem>>[vector<16xi32>], vector<16xi32>,
    %get3A_868 = arith.constant 384 : index
    %get3A_869 = tpu.vector_load %arg7[%get3A_868] {strides = array<i32>} : memref<512xi32, #tpu.memory_space<vmem>>, vector<16xi32>,
    %get3A_870 = arith.constant 384 : index
    %get3A_871 = tpu.vector_load %arg8[%get3A_870] {strides = array<i32>} : memref<512xi32, #tpu.memory_space<vmem>>, vector<16xi32>,
    %get3A_872 = arith.constant 384 : index
    %get3A_873 = tpu.vector_load %arg9[%get3A_872] {strides = array<i32>} : memref<512xi32, #tpu.memory_space<vmem>>, vector<16xi32>,
    %mul3A_874 = arith.constant 4 : i32
    %mul3A_875 = vector.broadcast %mul3A_874 : i32 to vector<16xi32>
    %mul3A_876 = arith.muli %mul3A_875, %iota3A : vector<16xi32>
    %add3A_877 = arith.constant 1536 : i32
    %add3A_878 = vector.broadcast %add3A_877 : i32 to vector<16xi32>
    %add3A_879 = arith.addi %add3A_878, %mul3A_876 : vector<16xi32>
    tpu.vector_store_idx %arg10[%add3A_879], %get3A_869 : memref<2048xi32, #tpu.memory_space<vmem>>[vector<16xi32>], vector<16xi32>,
    %add3A_880 = arith.constant 1 : i32
    %add3A_881 = vector.broadcast %add3A_880 : i32 to vector<16xi32>
    %add3A_882 = arith.addi %add3A_879, %add3A_881 : vector<16xi32>
    %add3A_883 = arith.constant 100 : i32
    %add3A_884 = vector.broadcast %add3A_883 : i32 to vector<16xi32>
    %add3A_885 = arith.addi %get3A_871, %add3A_884 : vector<16xi32>
    tpu.vector_store_idx %arg10[%add3A_882], %add3A_885 : memref<2048xi32, #tpu.memory_space<vmem>>[vector<16xi32>], vector<16xi32>,
    %add3A_886 = arith.constant 2 : i32
    %add3A_887 = vector.broadcast %add3A_886 : i32 to vector<16xi32>
    %add3A_888 = arith.addi %add3A_879, %add3A_887 : vector<16xi32>
    %mul3A_889 = arith.constant 2 : i32
    %mul3A_890 = vector.broadcast %mul3A_889 : i32 to vector<16xi32>
    %mul3A_891 = arith.muli %mul3A_890, %get3A_873 : vector<16xi32>
    %add3A_892 = arith.constant 200 : i32
    %add3A_893 = vector.broadcast %add3A_892 : i32 to vector<16xi32>
    %add3A_894 = arith.addi %mul3A_891, %add3A_893 : vector<16xi32>
    tpu.vector_store_idx %arg10[%add3A_888], %add3A_894 : memref<2048xi32, #tpu.memory_space<vmem>>[vector<16xi32>], vector<16xi32>,
    %add3A_895 = arith.constant 3 : i32
    %add3A_896 = vector.broadcast %add3A_895 : i32 to vector<16xi32>
    %add3A_897 = arith.addi %add3A_879, %add3A_896 : vector<16xi32>
    %mul3A_898 = arith.constant 2 : i32
    %mul3A_899 = vector.broadcast %mul3A_898 : i32 to vector<16xi32>
    %mul3A_900 = arith.muli %mul3A_899, %get3A_873 : vector<16xi32>
    %add3A_901 = arith.constant 201 : i32
    %add3A_902 = vector.broadcast %add3A_901 : i32 to vector<16xi32>
    %add3A_903 = arith.addi %mul3A_900, %add3A_902 : vector<16xi32>
    tpu.vector_store_idx %arg10[%add3A_897], %add3A_903 : memref<2048xi32, #tpu.memory_space<vmem>>[vector<16xi32>], vector<16xi32>,
    %get3A_904 = arith.constant 400 : index
    %get3A_905 = tpu.vector_load %arg7[%get3A_904] {strides = array<i32>} : memref<512xi32, #tpu.memory_space<vmem>>, vector<16xi32>,
    %get3A_906 = arith.constant 400 : index
    %get3A_907 = tpu.vector_load %arg8[%get3A_906] {strides = array<i32>} : memref<512xi32, #tpu.memory_space<vmem>>, vector<16xi32>,
    %get3A_908 = arith.constant 400 : index
    %get3A_909 = tpu.vector_load %arg9[%get3A_908] {strides = array<i32>} : memref<512xi32, #tpu.memory_space<vmem>>, vector<16xi32>,
    %mul3A_910 = arith.constant 4 : i32
    %mul3A_911 = vector.broadcast %mul3A_910 : i32 to vector<16xi32>
    %mul3A_912 = arith.muli %mul3A_911, %iota3A : vector<16xi32>
    %add3A_913 = arith.constant 1600 : i32
    %add3A_914 = vector.broadcast %add3A_913 : i32 to vector<16xi32>
    %add3A_915 = arith.addi %add3A_914, %mul3A_912 : vector<16xi32>
    tpu.vector_store_idx %arg10[%add3A_915], %get3A_905 : memref<2048xi32, #tpu.memory_space<vmem>>[vector<16xi32>], vector<16xi32>,
    %add3A_916 = arith.constant 1 : i32
    %add3A_917 = vector.broadcast %add3A_916 : i32 to vector<16xi32>
    %add3A_918 = arith.addi %add3A_915, %add3A_917 : vector<16xi32>
    %add3A_919 = arith.constant 100 : i32
    %add3A_920 = vector.broadcast %add3A_919 : i32 to vector<16xi32>
    %add3A_921 = arith.addi %get3A_907, %add3A_920 : vector<16xi32>
    tpu.vector_store_idx %arg10[%add3A_918], %add3A_921 : memref<2048xi32, #tpu.memory_space<vmem>>[vector<16xi32>], vector<16xi32>,
    %add3A_922 = arith.constant 2 : i32
    %add3A_923 = vector.broadcast %add3A_922 : i32 to vector<16xi32>
    %add3A_924 = arith.addi %add3A_915, %add3A_923 : vector<16xi32>
    %mul3A_925 = arith.constant 2 : i32
    %mul3A_926 = vector.broadcast %mul3A_925 : i32 to vector<16xi32>
    %mul3A_927 = arith.muli %mul3A_926, %get3A_909 : vector<16xi32>
    %add3A_928 = arith.constant 200 : i32
    %add3A_929 = vector.broadcast %add3A_928 : i32 to vector<16xi32>
    %add3A_930 = arith.addi %mul3A_927, %add3A_929 : vector<16xi32>
    tpu.vector_store_idx %arg10[%add3A_924], %add3A_930 : memref<2048xi32, #tpu.memory_space<vmem>>[vector<16xi32>], vector<16xi32>,
    %add3A_931 = arith.constant 3 : i32
    %add3A_932 = vector.broadcast %add3A_931 : i32 to vector<16xi32>
    %add3A_933 = arith.addi %add3A_915, %add3A_932 : vector<16xi32>
    %mul3A_934 = arith.constant 2 : i32
    %mul3A_935 = vector.broadcast %mul3A_934 : i32 to vector<16xi32>
    %mul3A_936 = arith.muli %mul3A_935, %get3A_909 : vector<16xi32>
    %add3A_937 = arith.constant 201 : i32
    %add3A_938 = vector.broadcast %add3A_937 : i32 to vector<16xi32>
    %add3A_939 = arith.addi %mul3A_936, %add3A_938 : vector<16xi32>
    tpu.vector_store_idx %arg10[%add3A_933], %add3A_939 : memref<2048xi32, #tpu.memory_space<vmem>>[vector<16xi32>], vector<16xi32>,
    %get3A_940 = arith.constant 416 : index
    %get3A_941 = tpu.vector_load %arg7[%get3A_940] {strides = array<i32>} : memref<512xi32, #tpu.memory_space<vmem>>, vector<16xi32>,
    %get3A_942 = arith.constant 416 : index
    %get3A_943 = tpu.vector_load %arg8[%get3A_942] {strides = array<i32>} : memref<512xi32, #tpu.memory_space<vmem>>, vector<16xi32>,
    %get3A_944 = arith.constant 416 : index
    %get3A_945 = tpu.vector_load %arg9[%get3A_944] {strides = array<i32>} : memref<512xi32, #tpu.memory_space<vmem>>, vector<16xi32>,
    %mul3A_946 = arith.constant 4 : i32
    %mul3A_947 = vector.broadcast %mul3A_946 : i32 to vector<16xi32>
    %mul3A_948 = arith.muli %mul3A_947, %iota3A : vector<16xi32>
    %add3A_949 = arith.constant 1664 : i32
    %add3A_950 = vector.broadcast %add3A_949 : i32 to vector<16xi32>
    %add3A_951 = arith.addi %add3A_950, %mul3A_948 : vector<16xi32>
    tpu.vector_store_idx %arg10[%add3A_951], %get3A_941 : memref<2048xi32, #tpu.memory_space<vmem>>[vector<16xi32>], vector<16xi32>,
    %add3A_952 = arith.constant 1 : i32
    %add3A_953 = vector.broadcast %add3A_952 : i32 to vector<16xi32>
    %add3A_954 = arith.addi %add3A_951, %add3A_953 : vector<16xi32>
    %add3A_955 = arith.constant 100 : i32
    %add3A_956 = vector.broadcast %add3A_955 : i32 to vector<16xi32>
    %add3A_957 = arith.addi %get3A_943, %add3A_956 : vector<16xi32>
    tpu.vector_store_idx %arg10[%add3A_954], %add3A_957 : memref<2048xi32, #tpu.memory_space<vmem>>[vector<16xi32>], vector<16xi32>,
    %add3A_958 = arith.constant 2 : i32
    %add3A_959 = vector.broadcast %add3A_958 : i32 to vector<16xi32>
    %add3A_960 = arith.addi %add3A_951, %add3A_959 : vector<16xi32>
    %mul3A_961 = arith.constant 2 : i32
    %mul3A_962 = vector.broadcast %mul3A_961 : i32 to vector<16xi32>
    %mul3A_963 = arith.muli %mul3A_962, %get3A_945 : vector<16xi32>
    %add3A_964 = arith.constant 200 : i32
    %add3A_965 = vector.broadcast %add3A_964 : i32 to vector<16xi32>
    %add3A_966 = arith.addi %mul3A_963, %add3A_965 : vector<16xi32>
    tpu.vector_store_idx %arg10[%add3A_960], %add3A_966 : memref<2048xi32, #tpu.memory_space<vmem>>[vector<16xi32>], vector<16xi32>,
    %add3A_967 = arith.constant 3 : i32
    %add3A_968 = vector.broadcast %add3A_967 : i32 to vector<16xi32>
    %add3A_969 = arith.addi %add3A_951, %add3A_968 : vector<16xi32>
    %mul3A_970 = arith.constant 2 : i32
    %mul3A_971 = vector.broadcast %mul3A_970 : i32 to vector<16xi32>
    %mul3A_972 = arith.muli %mul3A_971, %get3A_945 : vector<16xi32>
    %add3A_973 = arith.constant 201 : i32
    %add3A_974 = vector.broadcast %add3A_973 : i32 to vector<16xi32>
    %add3A_975 = arith.addi %mul3A_972, %add3A_974 : vector<16xi32>
    tpu.vector_store_idx %arg10[%add3A_969], %add3A_975 : memref<2048xi32, #tpu.memory_space<vmem>>[vector<16xi32>], vector<16xi32>,
    %get3A_976 = arith.constant 432 : index
    %get3A_977 = tpu.vector_load %arg7[%get3A_976] {strides = array<i32>} : memref<512xi32, #tpu.memory_space<vmem>>, vector<16xi32>,
    %get3A_978 = arith.constant 432 : index
    %get3A_979 = tpu.vector_load %arg8[%get3A_978] {strides = array<i32>} : memref<512xi32, #tpu.memory_space<vmem>>, vector<16xi32>,
    %get3A_980 = arith.constant 432 : index
    %get3A_981 = tpu.vector_load %arg9[%get3A_980] {strides = array<i32>} : memref<512xi32, #tpu.memory_space<vmem>>, vector<16xi32>,
    %mul3A_982 = arith.constant 4 : i32
    %mul3A_983 = vector.broadcast %mul3A_982 : i32 to vector<16xi32>
    %mul3A_984 = arith.muli %mul3A_983, %iota3A : vector<16xi32>
    %add3A_985 = arith.constant 1728 : i32
    %add3A_986 = vector.broadcast %add3A_985 : i32 to vector<16xi32>
    %add3A_987 = arith.addi %add3A_986, %mul3A_984 : vector<16xi32>
    tpu.vector_store_idx %arg10[%add3A_987], %get3A_977 : memref<2048xi32, #tpu.memory_space<vmem>>[vector<16xi32>], vector<16xi32>,
    %add3A_988 = arith.constant 1 : i32
    %add3A_989 = vector.broadcast %add3A_988 : i32 to vector<16xi32>
    %add3A_990 = arith.addi %add3A_987, %add3A_989 : vector<16xi32>
    %add3A_991 = arith.constant 100 : i32
    %add3A_992 = vector.broadcast %add3A_991 : i32 to vector<16xi32>
    %add3A_993 = arith.addi %get3A_979, %add3A_992 : vector<16xi32>
    tpu.vector_store_idx %arg10[%add3A_990], %add3A_993 : memref<2048xi32, #tpu.memory_space<vmem>>[vector<16xi32>], vector<16xi32>,
    %add3A_994 = arith.constant 2 : i32
    %add3A_995 = vector.broadcast %add3A_994 : i32 to vector<16xi32>
    %add3A_996 = arith.addi %add3A_987, %add3A_995 : vector<16xi32>
    %mul3A_997 = arith.constant 2 : i32
    %mul3A_998 = vector.broadcast %mul3A_997 : i32 to vector<16xi32>
    %mul3A_999 = arith.muli %mul3A_998, %get3A_981 : vector<16xi32>
    %add3A_1000 = arith.constant 200 : i32
    %add3A_1001 = vector.broadcast %add3A_1000 : i32 to vector<16xi32>
    %add3A_1002 = arith.addi %mul3A_999, %add3A_1001 : vector<16xi32>
    tpu.vector_store_idx %arg10[%add3A_996], %add3A_1002 : memref<2048xi32, #tpu.memory_space<vmem>>[vector<16xi32>], vector<16xi32>,
    %add3A_1003 = arith.constant 3 : i32
    %add3A_1004 = vector.broadcast %add3A_1003 : i32 to vector<16xi32>
    %add3A_1005 = arith.addi %add3A_987, %add3A_1004 : vector<16xi32>
    %mul3A_1006 = arith.constant 2 : i32
    %mul3A_1007 = vector.broadcast %mul3A_1006 : i32 to vector<16xi32>
    %mul3A_1008 = arith.muli %mul3A_1007, %get3A_981 : vector<16xi32>
    %add3A_1009 = arith.constant 201 : i32
    %add3A_1010 = vector.broadcast %add3A_1009 : i32 to vector<16xi32>
    %add3A_1011 = arith.addi %mul3A_1008, %add3A_1010 : vector<16xi32>
    tpu.vector_store_idx %arg10[%add3A_1005], %add3A_1011 : memref<2048xi32, #tpu.memory_space<vmem>>[vector<16xi32>], vector<16xi32>,
    %get3A_1012 = arith.constant 448 : index
    %get3A_1013 = tpu.vector_load %arg7[%get3A_1012] {strides = array<i32>} : memref<512xi32, #tpu.memory_space<vmem>>, vector<16xi32>,
    %get3A_1014 = arith.constant 448 : index
    %get3A_1015 = tpu.vector_load %arg8[%get3A_1014] {strides = array<i32>} : memref<512xi32, #tpu.memory_space<vmem>>, vector<16xi32>,
    %get3A_1016 = arith.constant 448 : index
    %get3A_1017 = tpu.vector_load %arg9[%get3A_1016] {strides = array<i32>} : memref<512xi32, #tpu.memory_space<vmem>>, vector<16xi32>,
    %mul3A_1018 = arith.constant 4 : i32
    %mul3A_1019 = vector.broadcast %mul3A_1018 : i32 to vector<16xi32>
    %mul3A_1020 = arith.muli %mul3A_1019, %iota3A : vector<16xi32>
    %add3A_1021 = arith.constant 1792 : i32
    %add3A_1022 = vector.broadcast %add3A_1021 : i32 to vector<16xi32>
    %add3A_1023 = arith.addi %add3A_1022, %mul3A_1020 : vector<16xi32>
    tpu.vector_store_idx %arg10[%add3A_1023], %get3A_1013 : memref<2048xi32, #tpu.memory_space<vmem>>[vector<16xi32>], vector<16xi32>,
    %add3A_1024 = arith.constant 1 : i32
    %add3A_1025 = vector.broadcast %add3A_1024 : i32 to vector<16xi32>
    %add3A_1026 = arith.addi %add3A_1023, %add3A_1025 : vector<16xi32>
    %add3A_1027 = arith.constant 100 : i32
    %add3A_1028 = vector.broadcast %add3A_1027 : i32 to vector<16xi32>
    %add3A_1029 = arith.addi %get3A_1015, %add3A_1028 : vector<16xi32>
    tpu.vector_store_idx %arg10[%add3A_1026], %add3A_1029 : memref<2048xi32, #tpu.memory_space<vmem>>[vector<16xi32>], vector<16xi32>,
    %add3A_1030 = arith.constant 2 : i32
    %add3A_1031 = vector.broadcast %add3A_1030 : i32 to vector<16xi32>
    %add3A_1032 = arith.addi %add3A_1023, %add3A_1031 : vector<16xi32>
    %mul3A_1033 = arith.constant 2 : i32
    %mul3A_1034 = vector.broadcast %mul3A_1033 : i32 to vector<16xi32>
    %mul3A_1035 = arith.muli %mul3A_1034, %get3A_1017 : vector<16xi32>
    %add3A_1036 = arith.constant 200 : i32
    %add3A_1037 = vector.broadcast %add3A_1036 : i32 to vector<16xi32>
    %add3A_1038 = arith.addi %mul3A_1035, %add3A_1037 : vector<16xi32>
    tpu.vector_store_idx %arg10[%add3A_1032], %add3A_1038 : memref<2048xi32, #tpu.memory_space<vmem>>[vector<16xi32>], vector<16xi32>,
    %add3A_1039 = arith.constant 3 : i32
    %add3A_1040 = vector.broadcast %add3A_1039 : i32 to vector<16xi32>
    %add3A_1041 = arith.addi %add3A_1023, %add3A_1040 : vector<16xi32>
    %mul3A_1042 = arith.constant 2 : i32
    %mul3A_1043 = vector.broadcast %mul3A_1042 : i32 to vector<16xi32>
    %mul3A_1044 = arith.muli %mul3A_1043, %get3A_1017 : vector<16xi32>
    %add3A_1045 = arith.constant 201 : i32
    %add3A_1046 = vector.broadcast %add3A_1045 : i32 to vector<16xi32>
    %add3A_1047 = arith.addi %mul3A_1044, %add3A_1046 : vector<16xi32>
    tpu.vector_store_idx %arg10[%add3A_1041], %add3A_1047 : memref<2048xi32, #tpu.memory_space<vmem>>[vector<16xi32>], vector<16xi32>,
    %get3A_1048 = arith.constant 464 : index
    %get3A_1049 = tpu.vector_load %arg7[%get3A_1048] {strides = array<i32>} : memref<512xi32, #tpu.memory_space<vmem>>, vector<16xi32>,
    %get3A_1050 = arith.constant 464 : index
    %get3A_1051 = tpu.vector_load %arg8[%get3A_1050] {strides = array<i32>} : memref<512xi32, #tpu.memory_space<vmem>>, vector<16xi32>,
    %get3A_1052 = arith.constant 464 : index
    %get3A_1053 = tpu.vector_load %arg9[%get3A_1052] {strides = array<i32>} : memref<512xi32, #tpu.memory_space<vmem>>, vector<16xi32>,
    %mul3A_1054 = arith.constant 4 : i32
    %mul3A_1055 = vector.broadcast %mul3A_1054 : i32 to vector<16xi32>
    %mul3A_1056 = arith.muli %mul3A_1055, %iota3A : vector<16xi32>
    %add3A_1057 = arith.constant 1856 : i32
    %add3A_1058 = vector.broadcast %add3A_1057 : i32 to vector<16xi32>
    %add3A_1059 = arith.addi %add3A_1058, %mul3A_1056 : vector<16xi32>
    tpu.vector_store_idx %arg10[%add3A_1059], %get3A_1049 : memref<2048xi32, #tpu.memory_space<vmem>>[vector<16xi32>], vector<16xi32>,
    %add3A_1060 = arith.constant 1 : i32
    %add3A_1061 = vector.broadcast %add3A_1060 : i32 to vector<16xi32>
    %add3A_1062 = arith.addi %add3A_1059, %add3A_1061 : vector<16xi32>
    %add3A_1063 = arith.constant 100 : i32
    %add3A_1064 = vector.broadcast %add3A_1063 : i32 to vector<16xi32>
    %add3A_1065 = arith.addi %get3A_1051, %add3A_1064 : vector<16xi32>
    tpu.vector_store_idx %arg10[%add3A_1062], %add3A_1065 : memref<2048xi32, #tpu.memory_space<vmem>>[vector<16xi32>], vector<16xi32>,
    %add3A_1066 = arith.constant 2 : i32
    %add3A_1067 = vector.broadcast %add3A_1066 : i32 to vector<16xi32>
    %add3A_1068 = arith.addi %add3A_1059, %add3A_1067 : vector<16xi32>
    %mul3A_1069 = arith.constant 2 : i32
    %mul3A_1070 = vector.broadcast %mul3A_1069 : i32 to vector<16xi32>
    %mul3A_1071 = arith.muli %mul3A_1070, %get3A_1053 : vector<16xi32>
    %add3A_1072 = arith.constant 200 : i32
    %add3A_1073 = vector.broadcast %add3A_1072 : i32 to vector<16xi32>
    %add3A_1074 = arith.addi %mul3A_1071, %add3A_1073 : vector<16xi32>
    tpu.vector_store_idx %arg10[%add3A_1068], %add3A_1074 : memref<2048xi32, #tpu.memory_space<vmem>>[vector<16xi32>], vector<16xi32>,
    %add3A_1075 = arith.constant 3 : i32
    %add3A_1076 = vector.broadcast %add3A_1075 : i32 to vector<16xi32>
    %add3A_1077 = arith.addi %add3A_1059, %add3A_1076 : vector<16xi32>
    %mul3A_1078 = arith.constant 2 : i32
    %mul3A_1079 = vector.broadcast %mul3A_1078 : i32 to vector<16xi32>
    %mul3A_1080 = arith.muli %mul3A_1079, %get3A_1053 : vector<16xi32>
    %add3A_1081 = arith.constant 201 : i32
    %add3A_1082 = vector.broadcast %add3A_1081 : i32 to vector<16xi32>
    %add3A_1083 = arith.addi %mul3A_1080, %add3A_1082 : vector<16xi32>
    tpu.vector_store_idx %arg10[%add3A_1077], %add3A_1083 : memref<2048xi32, #tpu.memory_space<vmem>>[vector<16xi32>], vector<16xi32>,
    %get3A_1084 = arith.constant 480 : index
    %get3A_1085 = tpu.vector_load %arg7[%get3A_1084] {strides = array<i32>} : memref<512xi32, #tpu.memory_space<vmem>>, vector<16xi32>,
    %get3A_1086 = arith.constant 480 : index
    %get3A_1087 = tpu.vector_load %arg8[%get3A_1086] {strides = array<i32>} : memref<512xi32, #tpu.memory_space<vmem>>, vector<16xi32>,
    %get3A_1088 = arith.constant 480 : index
    %get3A_1089 = tpu.vector_load %arg9[%get3A_1088] {strides = array<i32>} : memref<512xi32, #tpu.memory_space<vmem>>, vector<16xi32>,
    %mul3A_1090 = arith.constant 4 : i32
    %mul3A_1091 = vector.broadcast %mul3A_1090 : i32 to vector<16xi32>
    %mul3A_1092 = arith.muli %mul3A_1091, %iota3A : vector<16xi32>
    %add3A_1093 = arith.constant 1920 : i32
    %add3A_1094 = vector.broadcast %add3A_1093 : i32 to vector<16xi32>
    %add3A_1095 = arith.addi %add3A_1094, %mul3A_1092 : vector<16xi32>
    tpu.vector_store_idx %arg10[%add3A_1095], %get3A_1085 : memref<2048xi32, #tpu.memory_space<vmem>>[vector<16xi32>], vector<16xi32>,
    %add3A_1096 = arith.constant 1 : i32
    %add3A_1097 = vector.broadcast %add3A_1096 : i32 to vector<16xi32>
    %add3A_1098 = arith.addi %add3A_1095, %add3A_1097 : vector<16xi32>
    %add3A_1099 = arith.constant 100 : i32
    %add3A_1100 = vector.broadcast %add3A_1099 : i32 to vector<16xi32>
    %add3A_1101 = arith.addi %get3A_1087, %add3A_1100 : vector<16xi32>
    tpu.vector_store_idx %arg10[%add3A_1098], %add3A_1101 : memref<2048xi32, #tpu.memory_space<vmem>>[vector<16xi32>], vector<16xi32>,
    %add3A_1102 = arith.constant 2 : i32
    %add3A_1103 = vector.broadcast %add3A_1102 : i32 to vector<16xi32>
    %add3A_1104 = arith.addi %add3A_1095, %add3A_1103 : vector<16xi32>
    %mul3A_1105 = arith.constant 2 : i32
    %mul3A_1106 = vector.broadcast %mul3A_1105 : i32 to vector<16xi32>
    %mul3A_1107 = arith.muli %mul3A_1106, %get3A_1089 : vector<16xi32>
    %add3A_1108 = arith.constant 200 : i32
    %add3A_1109 = vector.broadcast %add3A_1108 : i32 to vector<16xi32>
    %add3A_1110 = arith.addi %mul3A_1107, %add3A_1109 : vector<16xi32>
    tpu.vector_store_idx %arg10[%add3A_1104], %add3A_1110 : memref<2048xi32, #tpu.memory_space<vmem>>[vector<16xi32>], vector<16xi32>,
    %add3A_1111 = arith.constant 3 : i32
    %add3A_1112 = vector.broadcast %add3A_1111 : i32 to vector<16xi32>
    %add3A_1113 = arith.addi %add3A_1095, %add3A_1112 : vector<16xi32>
    %mul3A_1114 = arith.constant 2 : i32
    %mul3A_1115 = vector.broadcast %mul3A_1114 : i32 to vector<16xi32>
    %mul3A_1116 = arith.muli %mul3A_1115, %get3A_1089 : vector<16xi32>
    %add3A_1117 = arith.constant 201 : i32
    %add3A_1118 = vector.broadcast %add3A_1117 : i32 to vector<16xi32>
    %add3A_1119 = arith.addi %mul3A_1116, %add3A_1118 : vector<16xi32>
    tpu.vector_store_idx %arg10[%add3A_1113], %add3A_1119 : memref<2048xi32, #tpu.memory_space<vmem>>[vector<16xi32>], vector<16xi32>,
    %get3A_1120 = arith.constant 496 : index
    %get3A_1121 = tpu.vector_load %arg7[%get3A_1120] {strides = array<i32>} : memref<512xi32, #tpu.memory_space<vmem>>, vector<16xi32>,
    %get3A_1122 = arith.constant 496 : index
    %get3A_1123 = tpu.vector_load %arg8[%get3A_1122] {strides = array<i32>} : memref<512xi32, #tpu.memory_space<vmem>>, vector<16xi32>,
    %get3A_1124 = arith.constant 496 : index
    %get3A_1125 = tpu.vector_load %arg9[%get3A_1124] {strides = array<i32>} : memref<512xi32, #tpu.memory_space<vmem>>, vector<16xi32>,
    %mul3A_1126 = arith.constant 4 : i32
    %mul3A_1127 = vector.broadcast %mul3A_1126 : i32 to vector<16xi32>
    %mul3A_1128 = arith.muli %mul3A_1127, %iota3A : vector<16xi32>
    %add3A_1129 = arith.constant 1984 : i32
    %add3A_1130 = vector.broadcast %add3A_1129 : i32 to vector<16xi32>
    %add3A_1131 = arith.addi %add3A_1130, %mul3A_1128 : vector<16xi32>
    tpu.vector_store_idx %arg10[%add3A_1131], %get3A_1121 : memref<2048xi32, #tpu.memory_space<vmem>>[vector<16xi32>], vector<16xi32>,
    %add3A_1132 = arith.constant 1 : i32
    %add3A_1133 = vector.broadcast %add3A_1132 : i32 to vector<16xi32>
    %add3A_1134 = arith.addi %add3A_1131, %add3A_1133 : vector<16xi32>
    %add3A_1135 = arith.constant 100 : i32
    %add3A_1136 = vector.broadcast %add3A_1135 : i32 to vector<16xi32>
    %add3A_1137 = arith.addi %get3A_1123, %add3A_1136 : vector<16xi32>
    tpu.vector_store_idx %arg10[%add3A_1134], %add3A_1137 : memref<2048xi32, #tpu.memory_space<vmem>>[vector<16xi32>], vector<16xi32>,
    %add3A_1138 = arith.constant 2 : i32
    %add3A_1139 = vector.broadcast %add3A_1138 : i32 to vector<16xi32>
    %add3A_1140 = arith.addi %add3A_1131, %add3A_1139 : vector<16xi32>
    %mul3A_1141 = arith.constant 2 : i32
    %mul3A_1142 = vector.broadcast %mul3A_1141 : i32 to vector<16xi32>
    %mul3A_1143 = arith.muli %mul3A_1142, %get3A_1125 : vector<16xi32>
    %add3A_1144 = arith.constant 200 : i32
    %add3A_1145 = vector.broadcast %add3A_1144 : i32 to vector<16xi32>
    %add3A_1146 = arith.addi %mul3A_1143, %add3A_1145 : vector<16xi32>
    tpu.vector_store_idx %arg10[%add3A_1140], %add3A_1146 : memref<2048xi32, #tpu.memory_space<vmem>>[vector<16xi32>], vector<16xi32>,
    %add3A_1147 = arith.constant 3 : i32
    %add3A_1148 = vector.broadcast %add3A_1147 : i32 to vector<16xi32>
    %add3A_1149 = arith.addi %add3A_1131, %add3A_1148 : vector<16xi32>
    %mul3A_1150 = arith.constant 2 : i32
    %mul3A_1151 = vector.broadcast %mul3A_1150 : i32 to vector<16xi32>
    %mul3A_1152 = arith.muli %mul3A_1151, %get3A_1125 : vector<16xi32>
    %add3A_1153 = arith.constant 201 : i32
    %add3A_1154 = vector.broadcast %add3A_1153 : i32 to vector<16xi32>
    %add3A_1155 = arith.addi %mul3A_1152, %add3A_1154 : vector<16xi32>
    tpu.vector_store_idx %arg10[%add3A_1149], %add3A_1155 : memref<2048xi32, #tpu.memory_space<vmem>>[vector<16xi32>], vector<16xi32>,
    %barrier3A = arith.constant 0 : index
    tpu.barrier barrier_id(%barrier3A)
    %dma_start3A = arith.constant 0 : i32
    %dma_start3A_1156 = arith.constant 0 : i32
    %dma_start3A_1157 = tpu.memref_slice %arg11[%dma_start3A, %dma_start3A_1156] : memref<2048x32xf32, #tpu.memory_space<vmem>> -> memref<128x32xf32, #tpu.memory_space<vmem>>
    %dma_start3A_1158 = arith.constant 0 : i32
    %dma_start3A_1159 = tpu.memref_slice %arg10[%dma_start3A_1158] : memref<2048xi32, #tpu.memory_space<vmem>> -> memref<128xi32, #tpu.memory_space<vmem>>
    %dma_start3A_1160 = arith.constant 0 : i32
    %dma_start3A_1161 = arith.constant 0 : i32
    %dma_start3A_1162 = tpu.memref_slice %arg12[%dma_start3A_1160, %dma_start3A_1161] : memref<600x32xf32, #tpu.memory_space<vmem_shared>> -> memref<600x32xf32, #tpu.memory_space<vmem_shared>>
    tpu.enqueue_indirect_dma source(%dma_start3A_1162 : memref<600x32xf32, #tpu.memory_space<vmem_shared>>) target(%dma_start3A_1157 : memref<128x32xf32, #tpu.memory_space<vmem>>) offsets(%dma_start3A_1159 : memref<128xi32, #tpu.memory_space<vmem>>) semaphore(%arg13 : memref<!tpu.dma_semaphore, #tpu.memory_space<semaphore_mem>>)
    %dma_start3A_1163 = arith.constant 128 : i32
    %dma_start3A_1164 = arith.constant 0 : i32
    %dma_start3A_1165 = tpu.memref_slice %arg11[%dma_start3A_1163, %dma_start3A_1164] : memref<2048x32xf32, #tpu.memory_space<vmem>> -> memref<128x32xf32, #tpu.memory_space<vmem>>
    %dma_start3A_1166 = arith.constant 128 : i32
    %dma_start3A_1167 = tpu.memref_slice %arg10[%dma_start3A_1166] : memref<2048xi32, #tpu.memory_space<vmem>> -> memref<128xi32, #tpu.memory_space<vmem>>
    %dma_start3A_1168 = arith.constant 0 : i32
    %dma_start3A_1169 = arith.constant 0 : i32
    %dma_start3A_1170 = tpu.memref_slice %arg12[%dma_start3A_1168, %dma_start3A_1169] : memref<600x32xf32, #tpu.memory_space<vmem_shared>> -> memref<600x32xf32, #tpu.memory_space<vmem_shared>>
    tpu.enqueue_indirect_dma source(%dma_start3A_1170 : memref<600x32xf32, #tpu.memory_space<vmem_shared>>) target(%dma_start3A_1165 : memref<128x32xf32, #tpu.memory_space<vmem>>) offsets(%dma_start3A_1167 : memref<128xi32, #tpu.memory_space<vmem>>) semaphore(%arg13 : memref<!tpu.dma_semaphore, #tpu.memory_space<semaphore_mem>>)
    %dma_start3A_1171 = arith.constant 256 : i32
    %dma_start3A_1172 = arith.constant 0 : i32
    %dma_start3A_1173 = tpu.memref_slice %arg11[%dma_start3A_1171, %dma_start3A_1172] : memref<2048x32xf32, #tpu.memory_space<vmem>> -> memref<128x32xf32, #tpu.memory_space<vmem>>
    %dma_start3A_1174 = arith.constant 256 : i32
    %dma_start3A_1175 = tpu.memref_slice %arg10[%dma_start3A_1174] : memref<2048xi32, #tpu.memory_space<vmem>> -> memref<128xi32, #tpu.memory_space<vmem>>
    %dma_start3A_1176 = arith.constant 0 : i32
    %dma_start3A_1177 = arith.constant 0 : i32
    %dma_start3A_1178 = tpu.memref_slice %arg12[%dma_start3A_1176, %dma_start3A_1177] : memref<600x32xf32, #tpu.memory_space<vmem_shared>> -> memref<600x32xf32, #tpu.memory_space<vmem_shared>>
    tpu.enqueue_indirect_dma source(%dma_start3A_1178 : memref<600x32xf32, #tpu.memory_space<vmem_shared>>) target(%dma_start3A_1173 : memref<128x32xf32, #tpu.memory_space<vmem>>) offsets(%dma_start3A_1175 : memref<128xi32, #tpu.memory_space<vmem>>) semaphore(%arg13 : memref<!tpu.dma_semaphore, #tpu.memory_space<semaphore_mem>>)
    %dma_start3A_1179 = arith.constant 384 : i32
    %dma_start3A_1180 = arith.constant 0 : i32
    %dma_start3A_1181 = tpu.memref_slice %arg11[%dma_start3A_1179, %dma_start3A_1180] : memref<2048x32xf32, #tpu.memory_space<vmem>> -> memref<128x32xf32, #tpu.memory_space<vmem>>
    %dma_start3A_1182 = arith.constant 384 : i32
    %dma_start3A_1183 = tpu.memref_slice %arg10[%dma_start3A_1182] : memref<2048xi32, #tpu.memory_space<vmem>> -> memref<128xi32, #tpu.memory_space<vmem>>
    %dma_start3A_1184 = arith.constant 0 : i32
    %dma_start3A_1185 = arith.constant 0 : i32
    %dma_start3A_1186 = tpu.memref_slice %arg12[%dma_start3A_1184, %dma_start3A_1185] : memref<600x32xf32, #tpu.memory_space<vmem_shared>> -> memref<600x32xf32, #tpu.memory_space<vmem_shared>>
    tpu.enqueue_indirect_dma source(%dma_start3A_1186 : memref<600x32xf32, #tpu.memory_space<vmem_shared>>) target(%dma_start3A_1181 : memref<128x32xf32, #tpu.memory_space<vmem>>) offsets(%dma_start3A_1183 : memref<128xi32, #tpu.memory_space<vmem>>) semaphore(%arg13 : memref<!tpu.dma_semaphore, #tpu.memory_space<semaphore_mem>>)
    %dma_start3A_1187 = arith.constant 512 : i32
    %dma_start3A_1188 = arith.constant 0 : i32
    %dma_start3A_1189 = tpu.memref_slice %arg11[%dma_start3A_1187, %dma_start3A_1188] : memref<2048x32xf32, #tpu.memory_space<vmem>> -> memref<128x32xf32, #tpu.memory_space<vmem>>
    %dma_start3A_1190 = arith.constant 512 : i32
    %dma_start3A_1191 = tpu.memref_slice %arg10[%dma_start3A_1190] : memref<2048xi32, #tpu.memory_space<vmem>> -> memref<128xi32, #tpu.memory_space<vmem>>
    %dma_start3A_1192 = arith.constant 0 : i32
    %dma_start3A_1193 = arith.constant 0 : i32
    %dma_start3A_1194 = tpu.memref_slice %arg12[%dma_start3A_1192, %dma_start3A_1193] : memref<600x32xf32, #tpu.memory_space<vmem_shared>> -> memref<600x32xf32, #tpu.memory_space<vmem_shared>>
    tpu.enqueue_indirect_dma source(%dma_start3A_1194 : memref<600x32xf32, #tpu.memory_space<vmem_shared>>) target(%dma_start3A_1189 : memref<128x32xf32, #tpu.memory_space<vmem>>) offsets(%dma_start3A_1191 : memref<128xi32, #tpu.memory_space<vmem>>) semaphore(%arg13 : memref<!tpu.dma_semaphore, #tpu.memory_space<semaphore_mem>>)
    %dma_start3A_1195 = arith.constant 640 : i32
    %dma_start3A_1196 = arith.constant 0 : i32
    %dma_start3A_1197 = tpu.memref_slice %arg11[%dma_start3A_1195, %dma_start3A_1196] : memref<2048x32xf32, #tpu.memory_space<vmem>> -> memref<128x32xf32, #tpu.memory_space<vmem>>
    %dma_start3A_1198 = arith.constant 640 : i32
    %dma_start3A_1199 = tpu.memref_slice %arg10[%dma_start3A_1198] : memref<2048xi32, #tpu.memory_space<vmem>> -> memref<128xi32, #tpu.memory_space<vmem>>
    %dma_start3A_1200 = arith.constant 0 : i32
    %dma_start3A_1201 = arith.constant 0 : i32
    %dma_start3A_1202 = tpu.memref_slice %arg12[%dma_start3A_1200, %dma_start3A_1201] : memref<600x32xf32, #tpu.memory_space<vmem_shared>> -> memref<600x32xf32, #tpu.memory_space<vmem_shared>>
    tpu.enqueue_indirect_dma source(%dma_start3A_1202 : memref<600x32xf32, #tpu.memory_space<vmem_shared>>) target(%dma_start3A_1197 : memref<128x32xf32, #tpu.memory_space<vmem>>) offsets(%dma_start3A_1199 : memref<128xi32, #tpu.memory_space<vmem>>) semaphore(%arg13 : memref<!tpu.dma_semaphore, #tpu.memory_space<semaphore_mem>>)
    %dma_start3A_1203 = arith.constant 768 : i32
    %dma_start3A_1204 = arith.constant 0 : i32
    %dma_start3A_1205 = tpu.memref_slice %arg11[%dma_start3A_1203, %dma_start3A_1204] : memref<2048x32xf32, #tpu.memory_space<vmem>> -> memref<128x32xf32, #tpu.memory_space<vmem>>
    %dma_start3A_1206 = arith.constant 768 : i32
    %dma_start3A_1207 = tpu.memref_slice %arg10[%dma_start3A_1206] : memref<2048xi32, #tpu.memory_space<vmem>> -> memref<128xi32, #tpu.memory_space<vmem>>
    %dma_start3A_1208 = arith.constant 0 : i32
    %dma_start3A_1209 = arith.constant 0 : i32
    %dma_start3A_1210 = tpu.memref_slice %arg12[%dma_start3A_1208, %dma_start3A_1209] : memref<600x32xf32, #tpu.memory_space<vmem_shared>> -> memref<600x32xf32, #tpu.memory_space<vmem_shared>>
    tpu.enqueue_indirect_dma source(%dma_start3A_1210 : memref<600x32xf32, #tpu.memory_space<vmem_shared>>) target(%dma_start3A_1205 : memref<128x32xf32, #tpu.memory_space<vmem>>) offsets(%dma_start3A_1207 : memref<128xi32, #tpu.memory_space<vmem>>) semaphore(%arg13 : memref<!tpu.dma_semaphore, #tpu.memory_space<semaphore_mem>>)
    %dma_start3A_1211 = arith.constant 896 : i32
    %dma_start3A_1212 = arith.constant 0 : i32
    %dma_start3A_1213 = tpu.memref_slice %arg11[%dma_start3A_1211, %dma_start3A_1212] : memref<2048x32xf32, #tpu.memory_space<vmem>> -> memref<128x32xf32, #tpu.memory_space<vmem>>
    %dma_start3A_1214 = arith.constant 896 : i32
    %dma_start3A_1215 = tpu.memref_slice %arg10[%dma_start3A_1214] : memref<2048xi32, #tpu.memory_space<vmem>> -> memref<128xi32, #tpu.memory_space<vmem>>
    %dma_start3A_1216 = arith.constant 0 : i32
    %dma_start3A_1217 = arith.constant 0 : i32
    %dma_start3A_1218 = tpu.memref_slice %arg12[%dma_start3A_1216, %dma_start3A_1217] : memref<600x32xf32, #tpu.memory_space<vmem_shared>> -> memref<600x32xf32, #tpu.memory_space<vmem_shared>>
    tpu.enqueue_indirect_dma source(%dma_start3A_1218 : memref<600x32xf32, #tpu.memory_space<vmem_shared>>) target(%dma_start3A_1213 : memref<128x32xf32, #tpu.memory_space<vmem>>) offsets(%dma_start3A_1215 : memref<128xi32, #tpu.memory_space<vmem>>) semaphore(%arg13 : memref<!tpu.dma_semaphore, #tpu.memory_space<semaphore_mem>>)
    %dma_start3A_1219 = arith.constant 1024 : i32
    %dma_start3A_1220 = arith.constant 0 : i32
    %dma_start3A_1221 = tpu.memref_slice %arg11[%dma_start3A_1219, %dma_start3A_1220] : memref<2048x32xf32, #tpu.memory_space<vmem>> -> memref<128x32xf32, #tpu.memory_space<vmem>>
    %dma_start3A_1222 = arith.constant 1024 : i32
    %dma_start3A_1223 = tpu.memref_slice %arg10[%dma_start3A_1222] : memref<2048xi32, #tpu.memory_space<vmem>> -> memref<128xi32, #tpu.memory_space<vmem>>
    %dma_start3A_1224 = arith.constant 0 : i32
    %dma_start3A_1225 = arith.constant 0 : i32
    %dma_start3A_1226 = tpu.memref_slice %arg12[%dma_start3A_1224, %dma_start3A_1225] : memref<600x32xf32, #tpu.memory_space<vmem_shared>> -> memref<600x32xf32, #tpu.memory_space<vmem_shared>>
    tpu.enqueue_indirect_dma source(%dma_start3A_1226 : memref<600x32xf32, #tpu.memory_space<vmem_shared>>) target(%dma_start3A_1221 : memref<128x32xf32, #tpu.memory_space<vmem>>) offsets(%dma_start3A_1223 : memref<128xi32, #tpu.memory_space<vmem>>) semaphore(%arg13 : memref<!tpu.dma_semaphore, #tpu.memory_space<semaphore_mem>>)
    %dma_start3A_1227 = arith.constant 1152 : i32
    %dma_start3A_1228 = arith.constant 0 : i32
    %dma_start3A_1229 = tpu.memref_slice %arg11[%dma_start3A_1227, %dma_start3A_1228] : memref<2048x32xf32, #tpu.memory_space<vmem>> -> memref<128x32xf32, #tpu.memory_space<vmem>>
    %dma_start3A_1230 = arith.constant 1152 : i32
    %dma_start3A_1231 = tpu.memref_slice %arg10[%dma_start3A_1230] : memref<2048xi32, #tpu.memory_space<vmem>> -> memref<128xi32, #tpu.memory_space<vmem>>
    %dma_start3A_1232 = arith.constant 0 : i32
    %dma_start3A_1233 = arith.constant 0 : i32
    %dma_start3A_1234 = tpu.memref_slice %arg12[%dma_start3A_1232, %dma_start3A_1233] : memref<600x32xf32, #tpu.memory_space<vmem_shared>> -> memref<600x32xf32, #tpu.memory_space<vmem_shared>>
    tpu.enqueue_indirect_dma source(%dma_start3A_1234 : memref<600x32xf32, #tpu.memory_space<vmem_shared>>) target(%dma_start3A_1229 : memref<128x32xf32, #tpu.memory_space<vmem>>) offsets(%dma_start3A_1231 : memref<128xi32, #tpu.memory_space<vmem>>) semaphore(%arg13 : memref<!tpu.dma_semaphore, #tpu.memory_space<semaphore_mem>>)
    %dma_start3A_1235 = arith.constant 1280 : i32
    %dma_start3A_1236 = arith.constant 0 : i32
    %dma_start3A_1237 = tpu.memref_slice %arg11[%dma_start3A_1235, %dma_start3A_1236] : memref<2048x32xf32, #tpu.memory_space<vmem>> -> memref<128x32xf32, #tpu.memory_space<vmem>>
    %dma_start3A_1238 = arith.constant 1280 : i32
    %dma_start3A_1239 = tpu.memref_slice %arg10[%dma_start3A_1238] : memref<2048xi32, #tpu.memory_space<vmem>> -> memref<128xi32, #tpu.memory_space<vmem>>
    %dma_start3A_1240 = arith.constant 0 : i32
    %dma_start3A_1241 = arith.constant 0 : i32
    %dma_start3A_1242 = tpu.memref_slice %arg12[%dma_start3A_1240, %dma_start3A_1241] : memref<600x32xf32, #tpu.memory_space<vmem_shared>> -> memref<600x32xf32, #tpu.memory_space<vmem_shared>>
    tpu.enqueue_indirect_dma source(%dma_start3A_1242 : memref<600x32xf32, #tpu.memory_space<vmem_shared>>) target(%dma_start3A_1237 : memref<128x32xf32, #tpu.memory_space<vmem>>) offsets(%dma_start3A_1239 : memref<128xi32, #tpu.memory_space<vmem>>) semaphore(%arg13 : memref<!tpu.dma_semaphore, #tpu.memory_space<semaphore_mem>>)
    %dma_start3A_1243 = arith.constant 1408 : i32
    %dma_start3A_1244 = arith.constant 0 : i32
    %dma_start3A_1245 = tpu.memref_slice %arg11[%dma_start3A_1243, %dma_start3A_1244] : memref<2048x32xf32, #tpu.memory_space<vmem>> -> memref<128x32xf32, #tpu.memory_space<vmem>>
    %dma_start3A_1246 = arith.constant 1408 : i32
    %dma_start3A_1247 = tpu.memref_slice %arg10[%dma_start3A_1246] : memref<2048xi32, #tpu.memory_space<vmem>> -> memref<128xi32, #tpu.memory_space<vmem>>
    %dma_start3A_1248 = arith.constant 0 : i32
    %dma_start3A_1249 = arith.constant 0 : i32
    %dma_start3A_1250 = tpu.memref_slice %arg12[%dma_start3A_1248, %dma_start3A_1249] : memref<600x32xf32, #tpu.memory_space<vmem_shared>> -> memref<600x32xf32, #tpu.memory_space<vmem_shared>>
    tpu.enqueue_indirect_dma source(%dma_start3A_1250 : memref<600x32xf32, #tpu.memory_space<vmem_shared>>) target(%dma_start3A_1245 : memref<128x32xf32, #tpu.memory_space<vmem>>) offsets(%dma_start3A_1247 : memref<128xi32, #tpu.memory_space<vmem>>) semaphore(%arg13 : memref<!tpu.dma_semaphore, #tpu.memory_space<semaphore_mem>>)
    %dma_start3A_1251 = arith.constant 1536 : i32
    %dma_start3A_1252 = arith.constant 0 : i32
    %dma_start3A_1253 = tpu.memref_slice %arg11[%dma_start3A_1251, %dma_start3A_1252] : memref<2048x32xf32, #tpu.memory_space<vmem>> -> memref<128x32xf32, #tpu.memory_space<vmem>>
    %dma_start3A_1254 = arith.constant 1536 : i32
    %dma_start3A_1255 = tpu.memref_slice %arg10[%dma_start3A_1254] : memref<2048xi32, #tpu.memory_space<vmem>> -> memref<128xi32, #tpu.memory_space<vmem>>
    %dma_start3A_1256 = arith.constant 0 : i32
    %dma_start3A_1257 = arith.constant 0 : i32
    %dma_start3A_1258 = tpu.memref_slice %arg12[%dma_start3A_1256, %dma_start3A_1257] : memref<600x32xf32, #tpu.memory_space<vmem_shared>> -> memref<600x32xf32, #tpu.memory_space<vmem_shared>>
    tpu.enqueue_indirect_dma source(%dma_start3A_1258 : memref<600x32xf32, #tpu.memory_space<vmem_shared>>) target(%dma_start3A_1253 : memref<128x32xf32, #tpu.memory_space<vmem>>) offsets(%dma_start3A_1255 : memref<128xi32, #tpu.memory_space<vmem>>) semaphore(%arg13 : memref<!tpu.dma_semaphore, #tpu.memory_space<semaphore_mem>>)
    %dma_start3A_1259 = arith.constant 1664 : i32
    %dma_start3A_1260 = arith.constant 0 : i32
    %dma_start3A_1261 = tpu.memref_slice %arg11[%dma_start3A_1259, %dma_start3A_1260] : memref<2048x32xf32, #tpu.memory_space<vmem>> -> memref<128x32xf32, #tpu.memory_space<vmem>>
    %dma_start3A_1262 = arith.constant 1664 : i32
    %dma_start3A_1263 = tpu.memref_slice %arg10[%dma_start3A_1262] : memref<2048xi32, #tpu.memory_space<vmem>> -> memref<128xi32, #tpu.memory_space<vmem>>
    %dma_start3A_1264 = arith.constant 0 : i32
    %dma_start3A_1265 = arith.constant 0 : i32
    %dma_start3A_1266 = tpu.memref_slice %arg12[%dma_start3A_1264, %dma_start3A_1265] : memref<600x32xf32, #tpu.memory_space<vmem_shared>> -> memref<600x32xf32, #tpu.memory_space<vmem_shared>>
    tpu.enqueue_indirect_dma source(%dma_start3A_1266 : memref<600x32xf32, #tpu.memory_space<vmem_shared>>) target(%dma_start3A_1261 : memref<128x32xf32, #tpu.memory_space<vmem>>) offsets(%dma_start3A_1263 : memref<128xi32, #tpu.memory_space<vmem>>) semaphore(%arg13 : memref<!tpu.dma_semaphore, #tpu.memory_space<semaphore_mem>>)
    %dma_start3A_1267 = arith.constant 1792 : i32
    %dma_start3A_1268 = arith.constant 0 : i32
    %dma_start3A_1269 = tpu.memref_slice %arg11[%dma_start3A_1267, %dma_start3A_1268] : memref<2048x32xf32, #tpu.memory_space<vmem>> -> memref<128x32xf32, #tpu.memory_space<vmem>>
    %dma_start3A_1270 = arith.constant 1792 : i32
    %dma_start3A_1271 = tpu.memref_slice %arg10[%dma_start3A_1270] : memref<2048xi32, #tpu.memory_space<vmem>> -> memref<128xi32, #tpu.memory_space<vmem>>
    %dma_start3A_1272 = arith.constant 0 : i32
    %dma_start3A_1273 = arith.constant 0 : i32
    %dma_start3A_1274 = tpu.memref_slice %arg12[%dma_start3A_1272, %dma_start3A_1273] : memref<600x32xf32, #tpu.memory_space<vmem_shared>> -> memref<600x32xf32, #tpu.memory_space<vmem_shared>>
    tpu.enqueue_indirect_dma source(%dma_start3A_1274 : memref<600x32xf32, #tpu.memory_space<vmem_shared>>) target(%dma_start3A_1269 : memref<128x32xf32, #tpu.memory_space<vmem>>) offsets(%dma_start3A_1271 : memref<128xi32, #tpu.memory_space<vmem>>) semaphore(%arg13 : memref<!tpu.dma_semaphore, #tpu.memory_space<semaphore_mem>>)
    %dma_start3A_1275 = arith.constant 1920 : i32
    %dma_start3A_1276 = arith.constant 0 : i32
    %dma_start3A_1277 = tpu.memref_slice %arg11[%dma_start3A_1275, %dma_start3A_1276] : memref<2048x32xf32, #tpu.memory_space<vmem>> -> memref<128x32xf32, #tpu.memory_space<vmem>>
    %dma_start3A_1278 = arith.constant 1920 : i32
    %dma_start3A_1279 = tpu.memref_slice %arg10[%dma_start3A_1278] : memref<2048xi32, #tpu.memory_space<vmem>> -> memref<128xi32, #tpu.memory_space<vmem>>
    %dma_start3A_1280 = arith.constant 0 : i32
    %dma_start3A_1281 = arith.constant 0 : i32
    %dma_start3A_1282 = tpu.memref_slice %arg12[%dma_start3A_1280, %dma_start3A_1281] : memref<600x32xf32, #tpu.memory_space<vmem_shared>> -> memref<600x32xf32, #tpu.memory_space<vmem_shared>>
    tpu.enqueue_indirect_dma source(%dma_start3A_1282 : memref<600x32xf32, #tpu.memory_space<vmem_shared>>) target(%dma_start3A_1277 : memref<128x32xf32, #tpu.memory_space<vmem>>) offsets(%dma_start3A_1279 : memref<128xi32, #tpu.memory_space<vmem>>) semaphore(%arg13 : memref<!tpu.dma_semaphore, #tpu.memory_space<semaphore_mem>>)
    %dma_wait3A = arith.constant 0 : i32
    %dma_wait3A_1283 = arith.constant 0 : i32
    %dma_wait3A_1284 = tpu.memref_slice %arg11[%dma_wait3A, %dma_wait3A_1283] : memref<2048x32xf32, #tpu.memory_space<vmem>> -> memref<128x32xf32, #tpu.memory_space<vmem>>
    %dma_wait3A_1285 = arith.constant 0 : i32
    %dma_wait3A_1286 = tpu.memref_slice %arg10[%dma_wait3A_1285] : memref<2048xi32, #tpu.memory_space<vmem>> -> memref<128xi32, #tpu.memory_space<vmem>>
    %dma_wait3A_1287 = arith.constant 0 : i32
    %dma_wait3A_1288 = arith.constant 0 : i32
    %dma_wait3A_1289 = tpu.memref_slice %arg12[%dma_wait3A_1287, %dma_wait3A_1288] : memref<600x32xf32, #tpu.memory_space<vmem_shared>> -> memref<600x32xf32, #tpu.memory_space<vmem_shared>>
    tpu.wait_indirect_dma semaphore(%arg13 : memref<!tpu.dma_semaphore, #tpu.memory_space<semaphore_mem>>) src(%dma_wait3A_1289 : memref<600x32xf32, #tpu.memory_space<vmem_shared>>) dst(%dma_wait3A_1284 : memref<128x32xf32, #tpu.memory_space<vmem>>)
    %dma_wait3A_1290 = arith.constant 128 : i32
    %dma_wait3A_1291 = arith.constant 0 : i32
    %dma_wait3A_1292 = tpu.memref_slice %arg11[%dma_wait3A_1290, %dma_wait3A_1291] : memref<2048x32xf32, #tpu.memory_space<vmem>> -> memref<128x32xf32, #tpu.memory_space<vmem>>
    %dma_wait3A_1293 = arith.constant 128 : i32
    %dma_wait3A_1294 = tpu.memref_slice %arg10[%dma_wait3A_1293] : memref<2048xi32, #tpu.memory_space<vmem>> -> memref<128xi32, #tpu.memory_space<vmem>>
    %dma_wait3A_1295 = arith.constant 0 : i32
    %dma_wait3A_1296 = arith.constant 0 : i32
    %dma_wait3A_1297 = tpu.memref_slice %arg12[%dma_wait3A_1295, %dma_wait3A_1296] : memref<600x32xf32, #tpu.memory_space<vmem_shared>> -> memref<600x32xf32, #tpu.memory_space<vmem_shared>>
    tpu.wait_indirect_dma semaphore(%arg13 : memref<!tpu.dma_semaphore, #tpu.memory_space<semaphore_mem>>) src(%dma_wait3A_1297 : memref<600x32xf32, #tpu.memory_space<vmem_shared>>) dst(%dma_wait3A_1292 : memref<128x32xf32, #tpu.memory_space<vmem>>)
    %dma_wait3A_1298 = arith.constant 256 : i32
    %dma_wait3A_1299 = arith.constant 0 : i32
    %dma_wait3A_1300 = tpu.memref_slice %arg11[%dma_wait3A_1298, %dma_wait3A_1299] : memref<2048x32xf32, #tpu.memory_space<vmem>> -> memref<128x32xf32, #tpu.memory_space<vmem>>
    %dma_wait3A_1301 = arith.constant 256 : i32
    %dma_wait3A_1302 = tpu.memref_slice %arg10[%dma_wait3A_1301] : memref<2048xi32, #tpu.memory_space<vmem>> -> memref<128xi32, #tpu.memory_space<vmem>>
    %dma_wait3A_1303 = arith.constant 0 : i32
    %dma_wait3A_1304 = arith.constant 0 : i32
    %dma_wait3A_1305 = tpu.memref_slice %arg12[%dma_wait3A_1303, %dma_wait3A_1304] : memref<600x32xf32, #tpu.memory_space<vmem_shared>> -> memref<600x32xf32, #tpu.memory_space<vmem_shared>>
    tpu.wait_indirect_dma semaphore(%arg13 : memref<!tpu.dma_semaphore, #tpu.memory_space<semaphore_mem>>) src(%dma_wait3A_1305 : memref<600x32xf32, #tpu.memory_space<vmem_shared>>) dst(%dma_wait3A_1300 : memref<128x32xf32, #tpu.memory_space<vmem>>)
    %dma_wait3A_1306 = arith.constant 384 : i32
    %dma_wait3A_1307 = arith.constant 0 : i32
    %dma_wait3A_1308 = tpu.memref_slice %arg11[%dma_wait3A_1306, %dma_wait3A_1307] : memref<2048x32xf32, #tpu.memory_space<vmem>> -> memref<128x32xf32, #tpu.memory_space<vmem>>
    %dma_wait3A_1309 = arith.constant 384 : i32
    %dma_wait3A_1310 = tpu.memref_slice %arg10[%dma_wait3A_1309] : memref<2048xi32, #tpu.memory_space<vmem>> -> memref<128xi32, #tpu.memory_space<vmem>>
    %dma_wait3A_1311 = arith.constant 0 : i32
    %dma_wait3A_1312 = arith.constant 0 : i32
    %dma_wait3A_1313 = tpu.memref_slice %arg12[%dma_wait3A_1311, %dma_wait3A_1312] : memref<600x32xf32, #tpu.memory_space<vmem_shared>> -> memref<600x32xf32, #tpu.memory_space<vmem_shared>>
    tpu.wait_indirect_dma semaphore(%arg13 : memref<!tpu.dma_semaphore, #tpu.memory_space<semaphore_mem>>) src(%dma_wait3A_1313 : memref<600x32xf32, #tpu.memory_space<vmem_shared>>) dst(%dma_wait3A_1308 : memref<128x32xf32, #tpu.memory_space<vmem>>)
    %dma_wait3A_1314 = arith.constant 512 : i32
    %dma_wait3A_1315 = arith.constant 0 : i32
    %dma_wait3A_1316 = tpu.memref_slice %arg11[%dma_wait3A_1314, %dma_wait3A_1315] : memref<2048x32xf32, #tpu.memory_space<vmem>> -> memref<128x32xf32, #tpu.memory_space<vmem>>
    %dma_wait3A_1317 = arith.constant 512 : i32
    %dma_wait3A_1318 = tpu.memref_slice %arg10[%dma_wait3A_1317] : memref<2048xi32, #tpu.memory_space<vmem>> -> memref<128xi32, #tpu.memory_space<vmem>>
    %dma_wait3A_1319 = arith.constant 0 : i32
    %dma_wait3A_1320 = arith.constant 0 : i32
    %dma_wait3A_1321 = tpu.memref_slice %arg12[%dma_wait3A_1319, %dma_wait3A_1320] : memref<600x32xf32, #tpu.memory_space<vmem_shared>> -> memref<600x32xf32, #tpu.memory_space<vmem_shared>>
    tpu.wait_indirect_dma semaphore(%arg13 : memref<!tpu.dma_semaphore, #tpu.memory_space<semaphore_mem>>) src(%dma_wait3A_1321 : memref<600x32xf32, #tpu.memory_space<vmem_shared>>) dst(%dma_wait3A_1316 : memref<128x32xf32, #tpu.memory_space<vmem>>)
    %dma_wait3A_1322 = arith.constant 640 : i32
    %dma_wait3A_1323 = arith.constant 0 : i32
    %dma_wait3A_1324 = tpu.memref_slice %arg11[%dma_wait3A_1322, %dma_wait3A_1323] : memref<2048x32xf32, #tpu.memory_space<vmem>> -> memref<128x32xf32, #tpu.memory_space<vmem>>
    %dma_wait3A_1325 = arith.constant 640 : i32
    %dma_wait3A_1326 = tpu.memref_slice %arg10[%dma_wait3A_1325] : memref<2048xi32, #tpu.memory_space<vmem>> -> memref<128xi32, #tpu.memory_space<vmem>>
    %dma_wait3A_1327 = arith.constant 0 : i32
    %dma_wait3A_1328 = arith.constant 0 : i32
    %dma_wait3A_1329 = tpu.memref_slice %arg12[%dma_wait3A_1327, %dma_wait3A_1328] : memref<600x32xf32, #tpu.memory_space<vmem_shared>> -> memref<600x32xf32, #tpu.memory_space<vmem_shared>>
    tpu.wait_indirect_dma semaphore(%arg13 : memref<!tpu.dma_semaphore, #tpu.memory_space<semaphore_mem>>) src(%dma_wait3A_1329 : memref<600x32xf32, #tpu.memory_space<vmem_shared>>) dst(%dma_wait3A_1324 : memref<128x32xf32, #tpu.memory_space<vmem>>)
    %dma_wait3A_1330 = arith.constant 768 : i32
    %dma_wait3A_1331 = arith.constant 0 : i32
    %dma_wait3A_1332 = tpu.memref_slice %arg11[%dma_wait3A_1330, %dma_wait3A_1331] : memref<2048x32xf32, #tpu.memory_space<vmem>> -> memref<128x32xf32, #tpu.memory_space<vmem>>
    %dma_wait3A_1333 = arith.constant 768 : i32
    %dma_wait3A_1334 = tpu.memref_slice %arg10[%dma_wait3A_1333] : memref<2048xi32, #tpu.memory_space<vmem>> -> memref<128xi32, #tpu.memory_space<vmem>>
    %dma_wait3A_1335 = arith.constant 0 : i32
    %dma_wait3A_1336 = arith.constant 0 : i32
    %dma_wait3A_1337 = tpu.memref_slice %arg12[%dma_wait3A_1335, %dma_wait3A_1336] : memref<600x32xf32, #tpu.memory_space<vmem_shared>> -> memref<600x32xf32, #tpu.memory_space<vmem_shared>>
    tpu.wait_indirect_dma semaphore(%arg13 : memref<!tpu.dma_semaphore, #tpu.memory_space<semaphore_mem>>) src(%dma_wait3A_1337 : memref<600x32xf32, #tpu.memory_space<vmem_shared>>) dst(%dma_wait3A_1332 : memref<128x32xf32, #tpu.memory_space<vmem>>)
    %dma_wait3A_1338 = arith.constant 896 : i32
    %dma_wait3A_1339 = arith.constant 0 : i32
    %dma_wait3A_1340 = tpu.memref_slice %arg11[%dma_wait3A_1338, %dma_wait3A_1339] : memref<2048x32xf32, #tpu.memory_space<vmem>> -> memref<128x32xf32, #tpu.memory_space<vmem>>
    %dma_wait3A_1341 = arith.constant 896 : i32
    %dma_wait3A_1342 = tpu.memref_slice %arg10[%dma_wait3A_1341] : memref<2048xi32, #tpu.memory_space<vmem>> -> memref<128xi32, #tpu.memory_space<vmem>>
    %dma_wait3A_1343 = arith.constant 0 : i32
    %dma_wait3A_1344 = arith.constant 0 : i32
    %dma_wait3A_1345 = tpu.memref_slice %arg12[%dma_wait3A_1343, %dma_wait3A_1344] : memref<600x32xf32, #tpu.memory_space<vmem_shared>> -> memref<600x32xf32, #tpu.memory_space<vmem_shared>>
    tpu.wait_indirect_dma semaphore(%arg13 : memref<!tpu.dma_semaphore, #tpu.memory_space<semaphore_mem>>) src(%dma_wait3A_1345 : memref<600x32xf32, #tpu.memory_space<vmem_shared>>) dst(%dma_wait3A_1340 : memref<128x32xf32, #tpu.memory_space<vmem>>)
    %dma_wait3A_1346 = arith.constant 1024 : i32
    %dma_wait3A_1347 = arith.constant 0 : i32
    %dma_wait3A_1348 = tpu.memref_slice %arg11[%dma_wait3A_1346, %dma_wait3A_1347] : memref<2048x32xf32, #tpu.memory_space<vmem>> -> memref<128x32xf32, #tpu.memory_space<vmem>>
    %dma_wait3A_1349 = arith.constant 1024 : i32
    %dma_wait3A_1350 = tpu.memref_slice %arg10[%dma_wait3A_1349] : memref<2048xi32, #tpu.memory_space<vmem>> -> memref<128xi32, #tpu.memory_space<vmem>>
    %dma_wait3A_1351 = arith.constant 0 : i32
    %dma_wait3A_1352 = arith.constant 0 : i32
    %dma_wait3A_1353 = tpu.memref_slice %arg12[%dma_wait3A_1351, %dma_wait3A_1352] : memref<600x32xf32, #tpu.memory_space<vmem_shared>> -> memref<600x32xf32, #tpu.memory_space<vmem_shared>>
    tpu.wait_indirect_dma semaphore(%arg13 : memref<!tpu.dma_semaphore, #tpu.memory_space<semaphore_mem>>) src(%dma_wait3A_1353 : memref<600x32xf32, #tpu.memory_space<vmem_shared>>) dst(%dma_wait3A_1348 : memref<128x32xf32, #tpu.memory_space<vmem>>)
    %dma_wait3A_1354 = arith.constant 1152 : i32
    %dma_wait3A_1355 = arith.constant 0 : i32
    %dma_wait3A_1356 = tpu.memref_slice %arg11[%dma_wait3A_1354, %dma_wait3A_1355] : memref<2048x32xf32, #tpu.memory_space<vmem>> -> memref<128x32xf32, #tpu.memory_space<vmem>>
    %dma_wait3A_1357 = arith.constant 1152 : i32
    %dma_wait3A_1358 = tpu.memref_slice %arg10[%dma_wait3A_1357] : memref<2048xi32, #tpu.memory_space<vmem>> -> memref<128xi32, #tpu.memory_space<vmem>>
    %dma_wait3A_1359 = arith.constant 0 : i32
    %dma_wait3A_1360 = arith.constant 0 : i32
    %dma_wait3A_1361 = tpu.memref_slice %arg12[%dma_wait3A_1359, %dma_wait3A_1360] : memref<600x32xf32, #tpu.memory_space<vmem_shared>> -> memref<600x32xf32, #tpu.memory_space<vmem_shared>>
    tpu.wait_indirect_dma semaphore(%arg13 : memref<!tpu.dma_semaphore, #tpu.memory_space<semaphore_mem>>) src(%dma_wait3A_1361 : memref<600x32xf32, #tpu.memory_space<vmem_shared>>) dst(%dma_wait3A_1356 : memref<128x32xf32, #tpu.memory_space<vmem>>)
    %dma_wait3A_1362 = arith.constant 1280 : i32
    %dma_wait3A_1363 = arith.constant 0 : i32
    %dma_wait3A_1364 = tpu.memref_slice %arg11[%dma_wait3A_1362, %dma_wait3A_1363] : memref<2048x32xf32, #tpu.memory_space<vmem>> -> memref<128x32xf32, #tpu.memory_space<vmem>>
    %dma_wait3A_1365 = arith.constant 1280 : i32
    %dma_wait3A_1366 = tpu.memref_slice %arg10[%dma_wait3A_1365] : memref<2048xi32, #tpu.memory_space<vmem>> -> memref<128xi32, #tpu.memory_space<vmem>>
    %dma_wait3A_1367 = arith.constant 0 : i32
    %dma_wait3A_1368 = arith.constant 0 : i32
    %dma_wait3A_1369 = tpu.memref_slice %arg12[%dma_wait3A_1367, %dma_wait3A_1368] : memref<600x32xf32, #tpu.memory_space<vmem_shared>> -> memref<600x32xf32, #tpu.memory_space<vmem_shared>>
    tpu.wait_indirect_dma semaphore(%arg13 : memref<!tpu.dma_semaphore, #tpu.memory_space<semaphore_mem>>) src(%dma_wait3A_1369 : memref<600x32xf32, #tpu.memory_space<vmem_shared>>) dst(%dma_wait3A_1364 : memref<128x32xf32, #tpu.memory_space<vmem>>)
    %dma_wait3A_1370 = arith.constant 1408 : i32
    %dma_wait3A_1371 = arith.constant 0 : i32
    %dma_wait3A_1372 = tpu.memref_slice %arg11[%dma_wait3A_1370, %dma_wait3A_1371] : memref<2048x32xf32, #tpu.memory_space<vmem>> -> memref<128x32xf32, #tpu.memory_space<vmem>>
    %dma_wait3A_1373 = arith.constant 1408 : i32
    %dma_wait3A_1374 = tpu.memref_slice %arg10[%dma_wait3A_1373] : memref<2048xi32, #tpu.memory_space<vmem>> -> memref<128xi32, #tpu.memory_space<vmem>>
    %dma_wait3A_1375 = arith.constant 0 : i32
    %dma_wait3A_1376 = arith.constant 0 : i32
    %dma_wait3A_1377 = tpu.memref_slice %arg12[%dma_wait3A_1375, %dma_wait3A_1376] : memref<600x32xf32, #tpu.memory_space<vmem_shared>> -> memref<600x32xf32, #tpu.memory_space<vmem_shared>>
    tpu.wait_indirect_dma semaphore(%arg13 : memref<!tpu.dma_semaphore, #tpu.memory_space<semaphore_mem>>) src(%dma_wait3A_1377 : memref<600x32xf32, #tpu.memory_space<vmem_shared>>) dst(%dma_wait3A_1372 : memref<128x32xf32, #tpu.memory_space<vmem>>)
    %dma_wait3A_1378 = arith.constant 1536 : i32
    %dma_wait3A_1379 = arith.constant 0 : i32
    %dma_wait3A_1380 = tpu.memref_slice %arg11[%dma_wait3A_1378, %dma_wait3A_1379] : memref<2048x32xf32, #tpu.memory_space<vmem>> -> memref<128x32xf32, #tpu.memory_space<vmem>>
    %dma_wait3A_1381 = arith.constant 1536 : i32
    %dma_wait3A_1382 = tpu.memref_slice %arg10[%dma_wait3A_1381] : memref<2048xi32, #tpu.memory_space<vmem>> -> memref<128xi32, #tpu.memory_space<vmem>>
    %dma_wait3A_1383 = arith.constant 0 : i32
    %dma_wait3A_1384 = arith.constant 0 : i32
    %dma_wait3A_1385 = tpu.memref_slice %arg12[%dma_wait3A_1383, %dma_wait3A_1384] : memref<600x32xf32, #tpu.memory_space<vmem_shared>> -> memref<600x32xf32, #tpu.memory_space<vmem_shared>>
    tpu.wait_indirect_dma semaphore(%arg13 : memref<!tpu.dma_semaphore, #tpu.memory_space<semaphore_mem>>) src(%dma_wait3A_1385 : memref<600x32xf32, #tpu.memory_space<vmem_shared>>) dst(%dma_wait3A_1380 : memref<128x32xf32, #tpu.memory_space<vmem>>)
    %dma_wait3A_1386 = arith.constant 1664 : i32
    %dma_wait3A_1387 = arith.constant 0 : i32
    %dma_wait3A_1388 = tpu.memref_slice %arg11[%dma_wait3A_1386, %dma_wait3A_1387] : memref<2048x32xf32, #tpu.memory_space<vmem>> -> memref<128x32xf32, #tpu.memory_space<vmem>>
    %dma_wait3A_1389 = arith.constant 1664 : i32
    %dma_wait3A_1390 = tpu.memref_slice %arg10[%dma_wait3A_1389] : memref<2048xi32, #tpu.memory_space<vmem>> -> memref<128xi32, #tpu.memory_space<vmem>>
    %dma_wait3A_1391 = arith.constant 0 : i32
    %dma_wait3A_1392 = arith.constant 0 : i32
    %dma_wait3A_1393 = tpu.memref_slice %arg12[%dma_wait3A_1391, %dma_wait3A_1392] : memref<600x32xf32, #tpu.memory_space<vmem_shared>> -> memref<600x32xf32, #tpu.memory_space<vmem_shared>>
    tpu.wait_indirect_dma semaphore(%arg13 : memref<!tpu.dma_semaphore, #tpu.memory_space<semaphore_mem>>) src(%dma_wait3A_1393 : memref<600x32xf32, #tpu.memory_space<vmem_shared>>) dst(%dma_wait3A_1388 : memref<128x32xf32, #tpu.memory_space<vmem>>)
    %dma_wait3A_1394 = arith.constant 1792 : i32
    %dma_wait3A_1395 = arith.constant 0 : i32
    %dma_wait3A_1396 = tpu.memref_slice %arg11[%dma_wait3A_1394, %dma_wait3A_1395] : memref<2048x32xf32, #tpu.memory_space<vmem>> -> memref<128x32xf32, #tpu.memory_space<vmem>>
    %dma_wait3A_1397 = arith.constant 1792 : i32
    %dma_wait3A_1398 = tpu.memref_slice %arg10[%dma_wait3A_1397] : memref<2048xi32, #tpu.memory_space<vmem>> -> memref<128xi32, #tpu.memory_space<vmem>>
    %dma_wait3A_1399 = arith.constant 0 : i32
    %dma_wait3A_1400 = arith.constant 0 : i32
    %dma_wait3A_1401 = tpu.memref_slice %arg12[%dma_wait3A_1399, %dma_wait3A_1400] : memref<600x32xf32, #tpu.memory_space<vmem_shared>> -> memref<600x32xf32, #tpu.memory_space<vmem_shared>>
    tpu.wait_indirect_dma semaphore(%arg13 : memref<!tpu.dma_semaphore, #tpu.memory_space<semaphore_mem>>) src(%dma_wait3A_1401 : memref<600x32xf32, #tpu.memory_space<vmem_shared>>) dst(%dma_wait3A_1396 : memref<128x32xf32, #tpu.memory_space<vmem>>)
    %dma_wait3A_1402 = arith.constant 1920 : i32
    %dma_wait3A_1403 = arith.constant 0 : i32
    %dma_wait3A_1404 = tpu.memref_slice %arg11[%dma_wait3A_1402, %dma_wait3A_1403] : memref<2048x32xf32, #tpu.memory_space<vmem>> -> memref<128x32xf32, #tpu.memory_space<vmem>>
    %dma_wait3A_1405 = arith.constant 1920 : i32
    %dma_wait3A_1406 = tpu.memref_slice %arg10[%dma_wait3A_1405] : memref<2048xi32, #tpu.memory_space<vmem>> -> memref<128xi32, #tpu.memory_space<vmem>>
    %dma_wait3A_1407 = arith.constant 0 : i32
    %dma_wait3A_1408 = arith.constant 0 : i32
    %dma_wait3A_1409 = tpu.memref_slice %arg12[%dma_wait3A_1407, %dma_wait3A_1408] : memref<600x32xf32, #tpu.memory_space<vmem_shared>> -> memref<600x32xf32, #tpu.memory_space<vmem_shared>>
    tpu.wait_indirect_dma semaphore(%arg13 : memref<!tpu.dma_semaphore, #tpu.memory_space<semaphore_mem>>) src(%dma_wait3A_1409 : memref<600x32xf32, #tpu.memory_space<vmem_shared>>) dst(%dma_wait3A_1404 : memref<128x32xf32, #tpu.memory_space<vmem>>)
    %mul3A_1410 = arith.constant 2048 : i32
    %mul3A_1411 = arith.muli %add3A, %mul3A_1410 : i32
    "tpu.region"() ({
      %run_scoped3A = tpu.sem_alloc : memref<!tpu.dma_semaphore, #tpu.memory_space<semaphore_mem>>
      %dma_start3A_1412 = arith.constant 0 : i32
      %dma_start3A_1413 = tpu.memref_slice %arg6[%mul3A_1411, %dma_start3A_1412] : memref<65536x32xf32, #tpu.memory_space<hbm>> -> memref<2048x32xf32, #tpu.memory_space<hbm>>
      %dma_start3A_1414 = arith.constant 0 : i32
      %dma_start3A_1415 = tpu.memref_slice %arg6[%mul3A_1411, %dma_start3A_1414] : memref<65536x32xf32, #tpu.memory_space<hbm>> -> memref<2048x32xf32, #tpu.memory_space<hbm>>
      tpu.enqueue_dma source(%arg11 : memref<2048x32xf32, #tpu.memory_space<vmem>>) target(%dma_start3A_1415 : memref<2048x32xf32, #tpu.memory_space<hbm>>) target_semaphore(%run_scoped3A : memref<!tpu.dma_semaphore, #tpu.memory_space<semaphore_mem>>)
      %dma_wait3A_1416 = arith.constant 0 : i32
      %dma_wait3A_1417 = tpu.memref_slice %arg6[%mul3A_1411, %dma_wait3A_1416] : memref<65536x32xf32, #tpu.memory_space<hbm>> -> memref<2048x32xf32, #tpu.memory_space<hbm>>
      %dma_wait3A_1418 = arith.constant 0 : i32
      %dma_wait3A_1419 = tpu.memref_slice %arg6[%mul3A_1411, %dma_wait3A_1418] : memref<65536x32xf32, #tpu.memory_space<hbm>> -> memref<2048x32xf32, #tpu.memory_space<hbm>>
      tpu.wait_dma2 semaphore(%run_scoped3A : memref<!tpu.dma_semaphore, #tpu.memory_space<semaphore_mem>>) src(%arg11 : memref<2048x32xf32, #tpu.memory_space<vmem>>) dst(%dma_wait3A_1419 : memref<2048x32xf32, #tpu.memory_space<hbm>>)
      tpu.yield
    }) : () -> ()
    return
  }
}

</mosaic_0001>

<sc_bundles>
// kernel: kernel.3.cloned.1.call-start
scs
__scs_entry_jumppad:
0x0: {  	(pc) =	sbr.rel $0x88, $3  }
0x1: {  	(tag) =	ssettag $0x0;
	lr =	simm.s32 $0x1  }
0x2: {  	[smem:$0x3F9B] =	sst lr;
	_ =	strace $0xD0000000  }
0x3: {  	_ = 	snop  }
0x4: {  	_ = 	snop  }
0x5: {  	_ = 	snop  }
0x6: {  	_ = 	snop  }
0x7: {  	_ = 	snop  }
__scs_overlays_trampoline_lowered:
0x8: {  	[smem:$0x3FAA] =	sst s0  }
0x9: {  	[smem:$0x3FAB] =	sst s1  }
0xa: {  	[smem:$0x3FAC] =	sst s2  }
0xb: {  	[smem:$0x3FAD] =	sst s3  }
0xc: {  	[smem:$0x3FAE] =	sst s4  }
0xd: {  	[smem:$0x3FAF] =	sst s5  }
0xe: {  	[smem:$0x3FB0] =	sst s6  }
0xf: {  	[smem:$0x3FB1] =	sst s7  }
0x10: {  	[smem:$0x3FB2] =	sst s8  }
0x11: {  	[smem:$0x3FB3] =	sst s9;
	s0 =	simm.s32 @!p0 $0x0  }
0x12: {  	s1 =	sld [smem:$0x3F99];
	s0 =	simm.s32 @p0 $0x1  }
0x13: {  	[smem:$0x3FB4] =	sst s0;
	s0 =	simm.s32 @!p1 $0x0  }
0x14: {  	s2 =	sld [smem:$0x3F98];
	s0 =	simm.s32 @p1 $0x1  }
0x15: {  	[smem:$0x3FB5] =	sst s0;
	s0 =	simm.s32 @!p2 $0x0  }
0x16: {  	s3 =	sld [smem:$0x3FDB];
	s0 =	simm.s32 @p2 $0x1  }
0x17: {  	s4 =	simm.s32 $0x1BF5;
	[smem:$0x3FB7] =	sst s0  }
0x18: {  	s0 =	sld [smem:$0x3F9A];
	_ =	swait.ge [sflag:s4], $0x0  }
0x19: {  	s7 =	sld [smem:$0x3F9B]  }
0x1a: {  	s8 =	sadd.s32 $0xFFFFE003, lr  }
0x1b: {  	s9 =	sadd.s32 $0xFFFFFEF7, lr;
	s5 =	simm.s32 $0xFFFFFFFF;
	p2 =	slt.u32 s8, $0xFFFFF086  }
0x1c: {  	p1 =	slt.u32 s9, $0xF7A;
	s5 =	simm.s32 @!p2 $0x0  }
0x1d: {  	s5 =	simm.s32 @p1 $0x1;
	p0 =	seq.s32 s7, s2  }
0x1e: {  	s7 =	smul.u32 @!p0 $0xF7A, s2;
	p2 =	seq.s32 @!p0 s5, $0x0  }
0x1f: {  	s9 =	smul.u32 $0xF7A, s1;
	s8 =	simm.s32 @!p0 $0x1BF5;
	p2 =	por !p2, p0  }
0x20: {  	[sflag:s8] =	ssyncset.s32 @!p0 $0xFFFFF086;
	s6 =	sadd.s32 @!p0 s3, s7;
	s7 =	simm.s32 @!p0 $0x108  }
0x21: {  	s3 =	sadd.s32 s3, s9;
	s6 =	sadd.s32 @!p0 $0x88, s6;
	s7 =	simm.s32 @p2 $0x1082  }
0x22: {  	[simem:s7], [sflag:s8] =	dma.local @!p0 [hbm:s6], $0xF7A  }
0x23: {  	s9 =	sor.u32 $0xD0000000, s2;
	s6 =	simm.s32 $0x108;
	_ =	swait.ge @!p0 [sflag:s8], $0x0  }
0x24: {  	s3 =	sadd.s32 $0x88, s3;
	s6 =	simm.s32 @!p1 $0x1082;
	[sflag:s4] =	ssyncset.s32 $0xFFFFF086  }
0x25: {  	[simem:s6], [sflag:s4] =	dma.local [hbm:s3], $0xF7A  }
0x26: {  	[smem:$0x3F9B] =	sst s1;
	(tag) =	ssettag s2;
	_ =	strace s9  }
0x27: {  	s1 =	sld [smem:$0x3FAB]  }
0x28: {  	s2 =	sld [smem:$0x3FAC]  }
0x29: {  	s4 =	sld [smem:$0x3FAE]  }
0x2a: {  	p0 =	seq.s32 s5, $0x0;
	s5 =	sld [smem:$0x3FAF]  }
0x2b: {  	s6 =	sld [smem:$0x3FB0]  }
0x2c: {  	s7 =	sld [smem:$0x3FB1]  }
0x2d: {  	s3 =	simm.s32 $0x108;
	s8 =	sld [smem:$0x3FB2]  }
0x2e: {  	s3 =	simm.s32 @!p0 $0x1082;
	s9 =	sld [smem:$0x3FB3]  }
0x2f: {  	lr =	sadd.s32 s0, s3;
	s0 =	sld [smem:$0x3FAA]  }
0x30: {  	s3 =	sld [smem:$0x3FAD]  }
0x31: {  	[smem:$0x3FB6] =	sst s10  }
0x32: {  	s10 =	sld [smem:$0x3FB4];
	_ =	sdelay $0x3  }
0x33: {  	p0 =	seq.s32 s10, $0x1;
	s10 =	sld [smem:$0x3FB6];
	_ =	sdelay $0x3  }
0x34: {  	[smem:$0x3FB6] =	sst s10  }
0x35: {  	s10 =	sld [smem:$0x3FB5];
	_ =	sdelay $0x3  }
0x36: {  	p1 =	seq.s32 s10, $0x1;
	s10 =	sld [smem:$0x3FB6];
	_ =	sdelay $0x3  }
0x37: {  	[smem:$0x3FB6] =	sst s10  }
0x38: {  	s10 =	sld [smem:$0x3FB7]  }
0x39: {  	_ = 	snop;
	(pc) =	sbr.ind lr, $3  }
0x3a: {  	_ = 	snop  }
0x3b: {  	_ = 	snop  }
0x3c: {  	p2 =	seq.s32 s10, $0x1;
	s10 =	sld [smem:$0x3FB6]  }
0x3d: {  	_ =	shalt  }
0x3e: {  	_ =	shalt  }
0x3f: {  	_ =	shalt  }
0x40: {  	_ =	shalt  }
0x41: {  	_ =	shalt  }
0x42: {  	_ =	shalt  }
0x43: {  	_ =	shalt  }
0x44: {  	_ =	shalt  }
0x45: {  	_ =	shalt  }
0x46: {  	_ =	shalt  }
0x47: {  	_ =	shalt  }
0x48: {  	_ =	shalt  }
0x49: {  	_ =	shalt  }
0x4a: {  	_ =	shalt  }
0x4b: {  	_ =	shalt  }
0x4c: {  	_ =	shalt  }
0x4d: {  	_ =	shalt  }
0x4e: {  	_ =	shalt  }
0x4f: {  	_ =	shalt  }
0x50: {  	_ =	shalt  }
0x51: {  	_ =	shalt  }
0x52: {  	_ =	shalt  }
0x53: {  	_ =	shalt  }
0x54: {  	_ =	shalt  }
0x55: {  	_ =	shalt  }
0x56: {  	_ =	shalt  }
0x57: {  	_ =	shalt  }
0x58: {  	_ =	shalt  }
0x59: {  	_ =	shalt  }
0x5a: {  	_ =	shalt  }
0x5b: {  	_ =	shalt  }
0x5c: {  	_ =	shalt  }
0x5d: {  	_ =	shalt  }
0x5e: {  	_ =	shalt  }
0x5f: {  	_ =	shalt  }
0x60: {  	_ =	shalt  }
0x61: {  	_ =	shalt  }
0x62: {  	_ =	shalt  }
0x63: {  	_ =	shalt  }
0x64: {  	_ =	shalt  }
0x65: {  	_ =	shalt  }
0x66: {  	_ =	shalt  }
0x67: {  	_ =	shalt  }
0x68: {  	_ =	shalt  }
0x69: {  	_ =	shalt  }
0x6a: {  	_ =	shalt  }
0x6b: {  	_ =	shalt  }
0x6c: {  	_ =	shalt  }
0x6d: {  	_ =	shalt  }
0x6e: {  	_ =	shalt  }
0x6f: {  	_ =	shalt  }
0x70: {  	_ =	shalt  }
0x71: {  	_ =	shalt  }
0x72: {  	_ =	shalt  }
0x73: {  	_ =	shalt  }
0x74: {  	_ =	shalt  }
0x75: {  	_ =	shalt  }
0x76: {  	_ =	shalt  }
0x77: {  	_ =	shalt  }
0x78: {  	_ =	shalt  }
0x79: {  	_ =	shalt  }
0x7a: {  	_ =	shalt  }
0x7b: {  	_ =	shalt  }
0x7c: {  	_ =	shalt  }
0x7d: {  	_ =	shalt  }
0x7e: {  	_ =	shalt  }
0x7f: {  	_ =	shalt  }
0x80: {  	_ =	shalt  }
0x81: {  	_ =	shalt  }
0x82: {  	_ =	shalt  }
0x83: {  	_ =	shalt  }
0x84: {  	_ =	shalt  }
0x85: {  	_ =	shalt  }
0x86: {  	_ =	shalt  }
0x87: {  	_ =	shalt  }
.Lfunc_end0:
.L_simem_size_0:
called_computation_lowered:
.L_overlay_start_0:
0x88: {  	s2 =	sld [smem:$0x3FD9]  }
0x89: {  	s3 =	sld [smem:$0x3FFE];
	_ =	sdelay $0x1  }
0x8a: {  	s1 =	srdreg.scid  }
0x8b: {  	s0 =	sand.u32 $0x1, s1  }
0x8c: {  	s17 =	sshll.u32 s0, $0xA;
	s2 =	sadd.s32 s3, s2  }
0x8d: {  	s2 =	sadd.s32 s2, s17  }
0x8e: {  	[smem:$0x3FC2] =	sst s2  }
0x8f: {  	_ = 	snop  }
0x90: {  	s2 =	sld [smem:$0x3FC9]  }
0x91: {  	s18 =	sld [smem:$0x3FC8]  }
0x92: {  	s4 =	sld [smem:$0x3FC7]  }
0x93: {  	s5 =	sld [smem:$0x3FD0];
	(tm) =	ssettm $0x1  }
0x94: {  	s6 =	sld [smem:$0x3FFB];
	_ =	sdelay $0x3  }
0x95: {  	_ =	strace s6  }
0x96: {  	s6 =	sld [smem:$0x3FFC];
	_ =	sdelay $0x3  }
0x97: {  	_ =	strace s6  }
0x98: {  	s6 =	sld [smem:$0x3FFD];
	_ =	sdelay $0x3  }
0x99: {  	_ =	strace s6  }
0x9a: {  	_ =	strace $0x8FFFFFFF  }
0x9b: {  	s19 =	sld [smem:$0x3FDB];
	_ =	sdelay $0x1  }
0x9c: {  	s7 =	simm.s32 $_scs_section_size  }
0x9d: {  	s8 =	simm.s32 $_size__tile_overlayer_lowered;
	s9 =	simm.s32 $_tile_overlayer_lowered  }
0x9e: {  	s22 =	simm.s32 $0x1BFF;
	s21 =	sshll.u32 s9, $0x1;
	s6 =	sadd.s32 s7, s19  }
0x9f: {  	s10 =	simm.s32 $0x0;
	s20 =	sshll.u32 s8, $0x1;
	s8 =	sadd.s32 s21, s6  }
0xa0: {  	[timem:s10], [sflag:s22] =	dma.local [hbm:s8], s20  }
0xa1: {  	_ =	swait.ge [sflag:s22], s20  }
0xa2: {  	s7 =	ssub.s32 $0x0, s20;
	[sflag:s22] =	ssyncset.done $0x0  }
0xa3: {  	[sflag:s22] =	ssyncadd.s32 s7;
	_ =	sdelay $0x1  }
0xa4: {  	s23 =	simm.s32 $0x1B8B  }
0xa5: {  	_ =	swait.ge [sflag:s23], $0x1  }
0xa6: {  	[sflag:s23] =	ssyncset.done $0x0  }
0xa7: {  	s25 =	simm.s32 $0x1B8E;
	s24 =	sld [smem:$0x3FFE];
	[sflag:s23] =	ssyncadd.s32 $0xFFFFFFFF  }
0xa8: {  	s26 =	simm.s32 $execute0_lowered;
	[smem:$0x3FD2] =	sst s25  }
0xa9: {  	s8 =	sshll.u32 s26, $0x1;
	_ =	strace $0x80000046;
	[dreg:$0x1] =	wrdreg $0xFFFFFFFF  }
0xaa: {  	s28 =	simm.s32 $_size_execute0_lowered;
	s6 =	sadd.s32 s6, s8;
	[dreg:$0x0] =	wrdreg $0x0  }
0xab: {  	s8 =	sshll.u32 s28, $0x1;
	[dreg:$0x2] =	wrdreg s6  }
0xac: {  	[dreg:$0x3] =	wrdreg s8  }
0xad: {  	[dreg:$0x4] =	wrdreg $0xC0  }
0xae: {  	_ =	task [dreg:s10], $0x5FFFF  }
0xaf: {  	[dreg:$0x1] =	wrdreg $0xFFFFFFFF  }
0xb0: {  	[dreg:$0x0] =	wrdreg $0x60  }
0xb1: {  	[dreg:$0x2] =	wrdreg s2  }
0xb2: {  	[dreg:$0x3] =	wrdreg s18  }
0xb3: {  	[dreg:$0x4] =	wrdreg s4  }
0xb4: {  	[dreg:$0x5] =	wrdreg s24  }
0xb5: {  	[dreg:$0x6] =	wrdreg s5  }
0xb6: {  	[dreg:$0x7] =	wrdreg $0x10E000  }
0xb7: {  	[dreg:$0x8] =	wrdreg $0x9  }
0xb8: {  	_ =	task.clear_ibuf [dreg:s10], $0x9FFFF;
	_ =	strace $0x90000046  }
0xb9: {  	s29 =	simm.s32 $0x9;
	_ =	strace $0x80000048  }
0xba: {  	_ =	swait.ge [sflag:s29], $0x1  }
0xbb: {  	[sflag:s29] =	ssyncadd.s32 $0xFFFFFFFF  }
0xbc: {  	_ =	strace $0x90000048  }
0xbd: {  	_ =	sfence  }
0xbe: {  	s30 =	sld [smem:$0x0];
	_ =	sdelay $0x2  }
0xbf: {  	s31 =	sshll.u32 s1, $0xD;
	s1 =	sshrl.u32 s1, $0x2  }
0xc0: {  	s3 =	sand.u32 $0x4000, s31;
	s1 =	sadd.s32 s1, s30  }
0xc1: {  	s0 =	sor.u32 s3, s0;
	s1 =	sshll.u32 s1, $0x11  }
0xc2: {  	s0 =	sor.u32 s1, s0  }
0xc3: {  	s0 =	sadd.s32 $0x8F2B, s0  }
0xc4: {  	[sflag:s0] =	ssyncadd.remote.s32 $0x1  }
0xc5: {  	_ =	sfence.sel $0xFFFF  }
0xc6: {  	[dreg:$0x0] =	wrdreg $0xFFFFFFFF;
	(pc) =	sbr.abs _section_cstart, $3  }
0xc7: {  	[dreg:$0x1] =	wrdreg $0xFFFFFFFF  }
0xc8: {  	_ =	task.clear_ibuf [dreg:s10], $0x2FFFF;
	_ =	strace $0x9FFFFFFF  }
0xc9: {  	(tm) =	ssettm $0x7FFFFFFF  }
tec
execute0_lowered:
.L_overlay_start_1:
0x0: {  	(tag) =	ssettag $0x1  }
0x1: {  	s3 =	rddreg [dreg:$0x0]  }
0x2: {  	s4 =	rddreg [dreg:$0x1]  }
0x3: {  	s5 =	rddreg [dreg:$0x2]  }
0x4: {  	s6 =	rddreg [dreg:$0x3]  }
0x5: {  	s7 =	rddreg [dreg:$0x4]  }
0x6: {  	s1 =	rddreg [dreg:$0x5];
	s2 =	simm.s32 $0x0  }
0x7: {  	[smem:$0x7FF] =	sst s2;
	s6 =	sadd.s32 $0x400, s6  }
0x8: {  	s15 =	simm.s32 $0x200;
	_ =	strace $0x80000047;
	[dreg:$0x7] =	wrdreg s6  }
0x9: {  	v0 =	vlaneseq.u32;
	s16 =	simm.s32 $0x400;
	[dreg:$0xd] =	wrdreg s15  }
0xa: {  	s17 =	simm.s32 $0x680;
	v0 =	vmul.u32 $0x4, v0;
	[dreg:$0xe] =	wrdreg s16  }
0xb: {  	s18 =	simm.s32 $0x1E00;
	[dreg:$0xf] =	wrdreg s17  }
0xc: {  	s8 =	srdreg.scid;
	s19 =	simm.s32 $0x700;
	[dreg:$0x10] =	wrdreg s18;
	v1 =	vor.u32 $0x1, v0;
	v8 =	vor.u32 $0x80, v0;
	v9 =	vor.u32 $0x81, v0  }
0xd: {  	s9 =	stileid.u32;
	s20 =	simm.s32 $0x2E00;
	[dreg:$0x11] =	wrdreg s19;
	v10 =	vor.u32 $0x82, v0;
	v11 =	vor.u32 $0x83, v0;
	v12 =	vor.u32 $0xC0, v0  }
0xe: {  	s22 =	simm.s32 $0x780;
	s24 =	simm.s32 $0x3E00;
	[dreg:$0x12] =	wrdreg s20;
	v13 =	vor.u32 $0xC1, v0;
	v14 =	vor.u32 $0xC2, v0;
	v15 =	vor.u32 $0xC3, v0  }
0xf: {  	s25 =	simm.s32 $0x800;
	s26 =	simm.s32 $0x4E00;
	[dreg:$0x13] =	wrdreg s22;
	v16 =	vor.u32 $0x100, v0;
	v17 =	vor.u32 $0x101, v0;
	v18 =	vor.u32 $0x102, v0  }
0x10: {  	s30 =	simm.s32 $0x880;
	s31 =	simm.s32 $0x5E00;
	[dreg:$0x14] =	wrdreg s24;
	v19 =	vor.u32 $0x103, v0;
	v20 =	vor.u32 $0x140, v0;
	v21 =	vor.u32 $0x141, v0  }
0x11: {  	s28 =	simm.s32 $0xFE00;
	s29 =	simm.s32 $0x1;
	[dreg:$0x15] =	wrdreg s25;
	v22 =	vor.u32 $0x142, v0;
	v23 =	vor.u32 $0x143, v0;
	v24 =	vor.u32 $0x180, v0  }
0x12: {  	s8 =	sand.u32 $0x1, s8;
	s10 =	sshll.u32 s9, $0x1;
	[dreg:$0x16] =	wrdreg s26;
	v25 =	vor.u32 $0x181, v0;
	v26 =	vor.u32 $0x182, v0;
	v27 =	vor.u32 $0x183, v0  }
0x13: {  	p0 =	sne.s32 s9, $0x0;
	s9 =	simm.s32 $0x6E00;
	[dreg:$0x17] =	wrdreg s30;
	v28 =	vor.u32 $0x1C0, v0;
	v29 =	vor.u32 $0x1C1, v0;
	v30 =	vor.u32 $0x1C2, v0  }
0x14: {  	s10 =	sor.u32 s8, s10;
	s21 =	ssub.s32 $0x2, s8;
	[dreg:$0x18] =	wrdreg s31;
	v31 =	vor.u32 $0x1C3, v0;
	v32 =	vor.u32 $0x200, v0;
	v33 =	vor.u32 $0x201, v0  }
0x15: {  	s15 =	simm.s32 $0x9E00;
	s16 =	simm.s32 $0xB00;
	s17 =	simm.s32 $0xAE00;
	v34 =	vor.u32 $0x202, v0;
	v35 =	vor.u32 $0x203, v0;
	v36 =	vor.u32 $0x240, v0  }
0x16: {  	s18 =	simm.s32 $0xB80;
	s19 =	simm.s32 $0xBE00;
	s20 =	simm.s32 $0xC00;
	v37 =	vor.u32 $0x241, v0;
	v38 =	vor.u32 $0x242, v0;
	v39 =	vor.u32 $0x243, v0  }
0x17: {  	s22 =	simm.s32 $0xC80;
	s24 =	simm.s32 $0xD00;
	s25 =	simm.s32 $0xEE00;
	v40 =	vor.u32 $0x280, v0;
	v41 =	vor.u32 $0x281, v0;
	v42 =	vor.u32 $0x282, v0  }
0x18: {  	s26 =	simm.s32 $0xD80;
	s11 =	sshll.u32 s10, $0x6;
	s13 =	sshll.u32 s10, $0xD;
	v43 =	vor.u32 $0x283, v0;
	v44 =	vor.u32 $0x2C0, v0;
	v45 =	vor.u32 $0x2C1, v0  }
0x19: {  	s23 =	sshrl.u32 s21, $0x1;
	s10 =	simm.s32 $0x980;
	v46 =	vor.u32 $0x2C2, v0;
	v47 =	vor.u32 $0x2C3, v0;
	v48 =	vor.u32 $0x300, v0;
	s3 =	sadd.s32 s3, s11  }
0x1a: {  	v49 =	vor.u32 $0x301, v0;
	v50 =	vor.u32 $0x302, v0;
	s6 =	sadd.s32 s4, s11;
	s12 =	sadd.s32 s5, s11;
	s14 =	sadd.s32 s7, s13;
	[tilespmem:$0x1FF90] =	vst v1;
	v1 =	vor.u32 $0x2, v0  }
0x1b: {  	v51 =	vor.u32 $0x303, v0;
	v52 =	vor.u32 $0x340, v0;
	s4 =	ssub.s32 s21, s23;
	s5 =	simm.s32 $0x600;
	[dreg:$0x8] =	wrdreg s3;
	[tilespmem:$0x1FFA0] =	vst v1;
	v1 =	vor.u32 $0x3, v0  }
0x1c: {  	v53 =	vor.u32 $0x341, v0;
	v54 =	vor.u32 $0x342, v0;
	s7 =	simm.s32 $0xE00;
	s11 =	simm.s32 $0x7E00;
	[dreg:$0x9] =	wrdreg s6;
	[tilespmem:$0x1FFB0] =	vst v1;
	v1 =	vor.u32 $0x40, v0  }
0x1d: {  	v55 =	vor.u32 $0x343, v0;
	v56 =	vor.u32 $0x380, v0;
	s13 =	simm.s32 $0x8E00;
	s21 =	simm.s32 $0xCE00;
	[dreg:$0xa] =	wrdreg s12;
	[tilespmem:$0x1FFC0] =	vst v1;
	v1 =	vor.u32 $0x41, v0  }
0x1e: {  	v57 =	vor.u32 $0x381, v0;
	v58 =	vor.u32 $0x382, v0;
	s23 =	simm.s32 $0xDE00;
	[dreg:$0xb] =	wrdreg s14;
	s3 =	sshrl.u32 @!p0 s1, $0x3;
	[tilespmem:$0x1FFD0] =	vst v1;
	v1 =	vor.u32 $0x42, v0  }
0x1f: {  	v59 =	vor.u32 $0x383, v0;
	v60 =	vor.u32 $0x3C0, v0;
	s6 =	simm.s32 $0x80;
	s12 =	simm.s32 $0xA00;
	s14 =	simm.s32 $0xA80;
	[tilespmem:$0x1FFE0] =	vst v1;
	v1 =	vor.u32 $0x43, v0  }
0x20: {  	v61 =	vor.u32 $0x3C1, v0;
	v62 =	vor.u32 $0x3C2, v0;
	v63 =	vor.u32 $0x3C3, v0;
	[dreg:$0xc] =	wrdreg s3;
	s3 =	smax.u32 s4, $0x1;
	s4 =	simm.s32 $0x2;
	[tilespmem:$0x1FFF0] =	vst v1  }
.LBB2_1:
0x21: {  	s30 =	rddreg [dreg:$0x7]  }
0x22: {  	s31 =	rddreg [dreg:$0xc];
	s0 =	simm.s32 @!p0 $0x1C02  }
0x23: {  	[spmem:s31], [sflag:s0] =	dma.local @!p0 [hbm:s30], $0x960  }
0x24: {  	s0 =	simm.s32 @!p0 $0x2  }
0x25: {  	_ =	swait.ge @!p0 [sflag:s0], $0x960  }
0x26: {  	[sflag:s0] =	ssyncset.done @!p0 $0x0  }
0x27: {  	s8 =	rddreg [dreg:$0x8];
	[sflag:s0] =	ssyncadd.s32 @!p0 $0xFFFFF6A0  }
0x28: {  	[tilespmem:s2], [sflag:$0x2] =	stream.linear.gather [hbm4b:s8+s2], $0x200, $0x38;
	[tilespmem:$0x112B0] =	vst v63  }
0x29: {  	_ =	swait.ge [sflag:s4], $0x200  }
0x2a: {  	s31 =	rddreg [dreg:$0x9];
	[sflag:s4] =	ssyncset.done $0x0  }
0x2b: {  	s8 =	rddreg [dreg:$0xd];
	[sflag:s4] =	ssyncadd.s32 $0xFFFFFE00  }
0x2c: {  	[tilespmem:s8], [sflag:$0x2] =	stream.linear.gather [hbm4b:s31+s2], $0x200, $0x38;
	[tilespmem:$0x112B0] =	vst v63  }
0x2d: {  	_ =	swait.ge [sflag:s4], $0x200  }
0x2e: {  	s31 =	rddreg [dreg:$0xa];
	[sflag:s4] =	ssyncset.done $0x0  }
0x2f: {  	s8 =	rddreg [dreg:$0xe];
	[sflag:s4] =	ssyncadd.s32 $0xFFFFFE00  }
0x30: {  	[tilespmem:s8], [sflag:$0x2] =	stream.linear.gather [hbm4b:s31+s2], $0x200, $0x38;
	[tilespmem:$0x112B0] =	vst v63  }
0x31: {  	_ =	swait.ge [sflag:s4], $0x200  }
0x32: {  	[sflag:s4] =	ssyncset.done $0x0  }
0x33: {  	[sflag:s4] =	ssyncadd.s32 $0xFFFFFE00  }
0x34: {  	v1 =	vld [tilespmem:$0x0]  }
0x35: {  	v2 =	vld [tilespmem:$0x200]  }
0x36: {  	v3 =	vld [tilespmem:$0x400];
	_ =	sdelay $0x4  }
0x37: {  	[tilespmem:v0+s5+$0x0] =	vst.idx.msk $0xffff, v1;
	v1 =	vadd.s32 $0x64, v2;
	v2 =	vshll.u32 v3, $0x1;
	v3 =	vld [tilespmem:$0x1FF90];
	_ =	sdelay $0x7  }
0x38: {  	[tilespmem:v3+s5+$0x0] =	vst.idx.msk $0xffff, v1;
	v3 =	vld [tilespmem:$0x1FFA0];
	_ =	sdelay $0x6  }
0x39: {  	v1 =	vadd.s32 $0xC8, v2  }
0x3a: {  	[tilespmem:v3+s5+$0x0] =	vst.idx.msk $0xffff, v1;
	v1 =	vadd.s32 $0xC9, v2;
	v2 =	vld [tilespmem:$0x1FFB0];
	_ =	sdelay $0x7  }
0x3b: {  	v4 =	vld [tilespmem:$0x1FFC0];
	[tilespmem:v2+s5+$0x0] =	vst.idx.msk $0xffff, v1  }
0x3c: {  	v1 =	vld [tilespmem:$0x10]  }
0x3d: {  	v2 =	vld [tilespmem:$0x210]  }
0x3e: {  	v3 =	vld [tilespmem:$0x410];
	_ =	sdelay $0x4  }
0x3f: {  	[tilespmem:v4+s5+$0x0] =	vst.idx.msk $0xffff, v1;
	v1 =	vadd.s32 $0x64, v2;
	v2 =	vshll.u32 v3, $0x1;
	v3 =	vld [tilespmem:$0x1FFD0];
	_ =	sdelay $0x7  }
0x40: {  	[tilespmem:v3+s5+$0x0] =	vst.idx.msk $0xffff, v1;
	v3 =	vld [tilespmem:$0x1FFE0];
	_ =	sdelay $0x6  }
0x41: {  	v1 =	vadd.s32 $0xC8, v2  }
0x42: {  	[tilespmem:v3+s5+$0x0] =	vst.idx.msk $0xffff, v1;
	v1 =	vadd.s32 $0xC9, v2;
	v2 =	vld [tilespmem:$0x1FFF0];
	_ =	sdelay $0x7  }
0x43: {  	[tilespmem:v2+s5+$0x0] =	vst.idx.msk $0xffff, v1  }
0x44: {  	v1 =	vld [tilespmem:$0x20]  }
0x45: {  	v2 =	vld [tilespmem:$0x220]  }
0x46: {  	v3 =	vld [tilespmem:$0x420];
	_ =	sdelay $0x4  }
0x47: {  	[tilespmem:v8+s5+$0x0] =	vst.idx.msk $0xffff, v1;
	v1 =	vadd.s32 $0x64, v2;
	v2 =	vshll.u32 v3, $0x1  }
0x48: {  	[tilespmem:v9+s5+$0x0] =	vst.idx.msk $0xffff, v1;
	v1 =	vadd.s32 $0xC8, v2  }
0x49: {  	[tilespmem:v10+s5+$0x0] =	vst.idx.msk $0xffff, v1;
	v1 =	vadd.s32 $0xC9, v2  }
0x4a: {  	[tilespmem:v11+s5+$0x0] =	vst.idx.msk $0xffff, v1  }
0x4b: {  	v1 =	vld [tilespmem:$0x30]  }
0x4c: {  	v2 =	vld [tilespmem:$0x230]  }
0x4d: {  	v3 =	vld [tilespmem:$0x430];
	_ =	sdelay $0x4  }
0x4e: {  	[tilespmem:v12+s5+$0x0] =	vst.idx.msk $0xffff, v1;
	v1 =	vadd.s32 $0x64, v2;
	v2 =	vshll.u32 v3, $0x1  }
0x4f: {  	[tilespmem:v13+s5+$0x0] =	vst.idx.msk $0xffff, v1;
	v1 =	vadd.s32 $0xC8, v2  }
0x50: {  	[tilespmem:v14+s5+$0x0] =	vst.idx.msk $0xffff, v1;
	v1 =	vadd.s32 $0xC9, v2  }
0x51: {  	[tilespmem:v15+s5+$0x0] =	vst.idx.msk $0xffff, v1  }
0x52: {  	v1 =	vld [tilespmem:$0x40]  }
0x53: {  	v2 =	vld [tilespmem:$0x240]  }
0x54: {  	v3 =	vld [tilespmem:$0x440];
	_ =	sdelay $0x4  }
0x55: {  	[tilespmem:v16+s5+$0x0] =	vst.idx.msk $0xffff, v1;
	v1 =	vadd.s32 $0x64, v2;
	v2 =	vshll.u32 v3, $0x1  }
0x56: {  	[tilespmem:v17+s5+$0x0] =	vst.idx.msk $0xffff, v1;
	v1 =	vadd.s32 $0xC8, v2  }
0x57: {  	[tilespmem:v18+s5+$0x0] =	vst.idx.msk $0xffff, v1;
	v1 =	vadd.s32 $0xC9, v2  }
0x58: {  	[tilespmem:v19+s5+$0x0] =	vst.idx.msk $0xffff, v1  }
0x59: {  	v1 =	vld [tilespmem:$0x50]  }
0x5a: {  	v2 =	vld [tilespmem:$0x250]  }
0x5b: {  	v3 =	vld [tilespmem:$0x450];
	_ =	sdelay $0x4  }
0x5c: {  	[tilespmem:v20+s5+$0x0] =	vst.idx.msk $0xffff, v1;
	v1 =	vadd.s32 $0x64, v2;
	v2 =	vshll.u32 v3, $0x1  }
0x5d: {  	[tilespmem:v21+s5+$0x0] =	vst.idx.msk $0xffff, v1;
	v1 =	vadd.s32 $0xC8, v2  }
0x5e: {  	[tilespmem:v22+s5+$0x0] =	vst.idx.msk $0xffff, v1;
	v1 =	vadd.s32 $0xC9, v2  }
0x5f: {  	[tilespmem:v23+s5+$0x0] =	vst.idx.msk $0xffff, v1  }
0x60: {  	v1 =	vld [tilespmem:$0x60]  }
0x61: {  	v2 =	vld [tilespmem:$0x260]  }
0x62: {  	v3 =	vld [tilespmem:$0x460];
	_ =	sdelay $0x4  }
0x63: {  	[tilespmem:v24+s5+$0x0] =	vst.idx.msk $0xffff, v1;
	v1 =	vadd.s32 $0x64, v2;
	v2 =	vshll.u32 v3, $0x1  }
0x64: {  	[tilespmem:v25+s5+$0x0] =	vst.idx.msk $0xffff, v1;
	v1 =	vadd.s32 $0xC8, v2  }
0x65: {  	[tilespmem:v26+s5+$0x0] =	vst.idx.msk $0xffff, v1;
	v1 =	vadd.s32 $0xC9, v2  }
0x66: {  	[tilespmem:v27+s5+$0x0] =	vst.idx.msk $0xffff, v1  }
0x67: {  	v1 =	vld [tilespmem:$0x70]  }
0x68: {  	v2 =	vld [tilespmem:$0x270]  }
0x69: {  	v3 =	vld [tilespmem:$0x470];
	_ =	sdelay $0x4  }
0x6a: {  	[tilespmem:v28+s5+$0x0] =	vst.idx.msk $0xffff, v1;
	v1 =	vadd.s32 $0x64, v2;
	v2 =	vshll.u32 v3, $0x1  }
0x6b: {  	[tilespmem:v29+s5+$0x0] =	vst.idx.msk $0xffff, v1;
	v1 =	vadd.s32 $0xC8, v2  }
0x6c: {  	[tilespmem:v30+s5+$0x0] =	vst.idx.msk $0xffff, v1;
	v1 =	vadd.s32 $0xC9, v2  }
0x6d: {  	[tilespmem:v31+s5+$0x0] =	vst.idx.msk $0xffff, v1  }
0x6e: {  	v1 =	vld [tilespmem:$0x80]  }
0x6f: {  	v2 =	vld [tilespmem:$0x280]  }
0x70: {  	v3 =	vld [tilespmem:$0x480];
	_ =	sdelay $0x4  }
0x71: {  	[tilespmem:v32+s5+$0x0] =	vst.idx.msk $0xffff, v1;
	v1 =	vadd.s32 $0x64, v2;
	v2 =	vshll.u32 v3, $0x1  }
0x72: {  	[tilespmem:v33+s5+$0x0] =	vst.idx.msk $0xffff, v1;
	v1 =	vadd.s32 $0xC8, v2  }
0x73: {  	[tilespmem:v34+s5+$0x0] =	vst.idx.msk $0xffff, v1;
	v1 =	vadd.s32 $0xC9, v2  }
0x74: {  	[tilespmem:v35+s5+$0x0] =	vst.idx.msk $0xffff, v1  }
0x75: {  	v1 =	vld [tilespmem:$0x90]  }
0x76: {  	v2 =	vld [tilespmem:$0x290]  }
0x77: {  	v3 =	vld [tilespmem:$0x490];
	_ =	sdelay $0x4  }
0x78: {  	[tilespmem:v36+s5+$0x0] =	vst.idx.msk $0xffff, v1;
	v1 =	vadd.s32 $0x64, v2;
	v2 =	vshll.u32 v3, $0x1  }
0x79: {  	[tilespmem:v37+s5+$0x0] =	vst.idx.msk $0xffff, v1;
	v1 =	vadd.s32 $0xC8, v2  }
0x7a: {  	[tilespmem:v38+s5+$0x0] =	vst.idx.msk $0xffff, v1;
	v1 =	vadd.s32 $0xC9, v2  }
0x7b: {  	[tilespmem:v39+s5+$0x0] =	vst.idx.msk $0xffff, v1  }
0x7c: {  	v1 =	vld [tilespmem:$0xA0]  }
0x7d: {  	v2 =	vld [tilespmem:$0x2A0]  }
0x7e: {  	v3 =	vld [tilespmem:$0x4A0];
	_ =	sdelay $0x4  }
0x7f: {  	[tilespmem:v40+s5+$0x0] =	vst.idx.msk $0xffff, v1;
	v1 =	vadd.s32 $0x64, v2;
	v2 =	vshll.u32 v3, $0x1  }
0x80: {  	[tilespmem:v41+s5+$0x0] =	vst.idx.msk $0xffff, v1;
	v1 =	vadd.s32 $0xC8, v2  }
0x81: {  	[tilespmem:v42+s5+$0x0] =	vst.idx.msk $0xffff, v1;
	v1 =	vadd.s32 $0xC9, v2  }
0x82: {  	[tilespmem:v43+s5+$0x0] =	vst.idx.msk $0xffff, v1  }
0x83: {  	v1 =	vld [tilespmem:$0xB0]  }
0x84: {  	v2 =	vld [tilespmem:$0x2B0]  }
0x85: {  	v3 =	vld [tilespmem:$0x4B0];
	_ =	sdelay $0x4  }
0x86: {  	[tilespmem:v44+s5+$0x0] =	vst.idx.msk $0xffff, v1;
	v1 =	vadd.s32 $0x64, v2;
	v2 =	vshll.u32 v3, $0x1  }
0x87: {  	[tilespmem:v45+s5+$0x0] =	vst.idx.msk $0xffff, v1;
	v1 =	vadd.s32 $0xC8, v2  }
0x88: {  	[tilespmem:v46+s5+$0x0] =	vst.idx.msk $0xffff, v1;
	v1 =	vadd.s32 $0xC9, v2  }
0x89: {  	[tilespmem:v47+s5+$0x0] =	vst.idx.msk $0xffff, v1  }
0x8a: {  	v1 =	vld [tilespmem:$0xC0]  }
0x8b: {  	v2 =	vld [tilespmem:$0x2C0]  }
0x8c: {  	v3 =	vld [tilespmem:$0x4C0];
	_ =	sdelay $0x4  }
0x8d: {  	[tilespmem:v48+s5+$0x0] =	vst.idx.msk $0xffff, v1;
	v1 =	vadd.s32 $0x64, v2;
	v2 =	vshll.u32 v3, $0x1  }
0x8e: {  	[tilespmem:v49+s5+$0x0] =	vst.idx.msk $0xffff, v1;
	v1 =	vadd.s32 $0xC8, v2  }
0x8f: {  	[tilespmem:v50+s5+$0x0] =	vst.idx.msk $0xffff, v1;
	v1 =	vadd.s32 $0xC9, v2  }
0x90: {  	[tilespmem:v51+s5+$0x0] =	vst.idx.msk $0xffff, v1  }
0x91: {  	v1 =	vld [tilespmem:$0xD0]  }
0x92: {  	v2 =	vld [tilespmem:$0x2D0]  }
0x93: {  	v3 =	vld [tilespmem:$0x4D0];
	_ =	sdelay $0x4  }
0x94: {  	[tilespmem:v52+s5+$0x0] =	vst.idx.msk $0xffff, v1;
	v1 =	vadd.s32 $0x64, v2;
	v2 =	vshll.u32 v3, $0x1  }
0x95: {  	[tilespmem:v53+s5+$0x0] =	vst.idx.msk $0xffff, v1;
	v1 =	vadd.s32 $0xC8, v2  }
0x96: {  	[tilespmem:v54+s5+$0x0] =	vst.idx.msk $0xffff, v1;
	v1 =	vadd.s32 $0xC9, v2  }
0x97: {  	[tilespmem:v55+s5+$0x0] =	vst.idx.msk $0xffff, v1  }
0x98: {  	v1 =	vld [tilespmem:$0xE0]  }
0x99: {  	v2 =	vld [tilespmem:$0x2E0]  }
0x9a: {  	v3 =	vld [tilespmem:$0x4E0];
	_ =	sdelay $0x4  }
0x9b: {  	[tilespmem:v56+s5+$0x0] =	vst.idx.msk $0xffff, v1;
	v1 =	vadd.s32 $0x64, v2;
	v2 =	vshll.u32 v3, $0x1  }
0x9c: {  	[tilespmem:v57+s5+$0x0] =	vst.idx.msk $0xffff, v1;
	v1 =	vadd.s32 $0xC8, v2  }
0x9d: {  	[tilespmem:v58+s5+$0x0] =	vst.idx.msk $0xffff, v1;
	v1 =	vadd.s32 $0xC9, v2  }
0x9e: {  	[tilespmem:v59+s5+$0x0] =	vst.idx.msk $0xffff, v1  }
0x9f: {  	v1 =	vld [tilespmem:$0xF0]  }
0xa0: {  	v2 =	vld [tilespmem:$0x2F0]  }
0xa1: {  	v3 =	vld [tilespmem:$0x4F0];
	_ =	sdelay $0x4  }
0xa2: {  	[tilespmem:v60+s5+$0x0] =	vst.idx.msk $0xffff, v1;
	v1 =	vadd.s32 $0x64, v2;
	v2 =	vshll.u32 v3, $0x1  }
0xa3: {  	[tilespmem:v61+s5+$0x0] =	vst.idx.msk $0xffff, v1;
	v1 =	vadd.s32 $0xC8, v2  }
0xa4: {  	[tilespmem:v62+s5+$0x0] =	vst.idx.msk $0xffff, v1;
	v1 =	vadd.s32 $0xC9, v2  }
0xa5: {  	[tilespmem:v63+s5+$0x0] =	vst.idx.msk $0xffff, v1  }
0xa6: {  	v1 =	vld [tilespmem:$0x100]  }
0xa7: {  	v2 =	vld [tilespmem:$0x300]  }
0xa8: {  	v4 =	vor.u32 $0x400, v0;
	v3 =	vld [tilespmem:$0x500]  }
0xa9: {  	v5 =	vor.u32 $0x401, v0  }
0xaa: {  	v6 =	vor.u32 $0x402, v0  }
0xab: {  	v7 =	vor.u32 $0x403, v0;
	_ =	sdelay $0x1  }
0xac: {  	[tilespmem:v4+s5+$0x0] =	vst.idx.msk $0xffff, v1;
	v1 =	vadd.s32 $0x64, v2;
	v2 =	vshll.u32 v3, $0x1  }
0xad: {  	[tilespmem:v5+s5+$0x0] =	vst.idx.msk $0xffff, v1;
	v1 =	vadd.s32 $0xC8, v2  }
0xae: {  	[tilespmem:v6+s5+$0x0] =	vst.idx.msk $0xffff, v1;
	v1 =	vadd.s32 $0xC9, v2  }
0xaf: {  	[tilespmem:v7+s5+$0x0] =	vst.idx.msk $0xffff, v1  }
0xb0: {  	v1 =	vld [tilespmem:$0x110]  }
0xb1: {  	v2 =	vld [tilespmem:$0x310]  }
0xb2: {  	v4 =	vor.u32 $0x440, v0;
	v3 =	vld [tilespmem:$0x510]  }
0xb3: {  	v5 =	vor.u32 $0x441, v0  }
0xb4: {  	v6 =	vor.u32 $0x442, v0  }
0xb5: {  	v7 =	vor.u32 $0x443, v0;
	_ =	sdelay $0x1  }
0xb6: {  	[tilespmem:v4+s5+$0x0] =	vst.idx.msk $0xffff, v1;
	v1 =	vadd.s32 $0x64, v2;
	v2 =	vshll.u32 v3, $0x1  }
0xb7: {  	[tilespmem:v5+s5+$0x0] =	vst.idx.msk $0xffff, v1;
	v1 =	vadd.s32 $0xC8, v2  }
0xb8: {  	[tilespmem:v6+s5+$0x0] =	vst.idx.msk $0xffff, v1;
	v1 =	vadd.s32 $0xC9, v2  }
0xb9: {  	[tilespmem:v7+s5+$0x0] =	vst.idx.msk $0xffff, v1  }
0xba: {  	v1 =	vld [tilespmem:$0x120]  }
0xbb: {  	v2 =	vld [tilespmem:$0x320]  }
0xbc: {  	v4 =	vor.u32 $0x480, v0;
	v3 =	vld [tilespmem:$0x520]  }
0xbd: {  	v5 =	vor.u32 $0x481, v0  }
0xbe: {  	v6 =	vor.u32 $0x482, v0  }
0xbf: {  	v7 =	vor.u32 $0x483, v0;
	_ =	sdelay $0x1  }
0xc0: {  	[tilespmem:v4+s5+$0x0] =	vst.idx.msk $0xffff, v1;
	v1 =	vadd.s32 $0x64, v2;
	v2 =	vshll.u32 v3, $0x1  }
0xc1: {  	[tilespmem:v5+s5+$0x0] =	vst.idx.msk $0xffff, v1;
	v1 =	vadd.s32 $0xC8, v2  }
0xc2: {  	[tilespmem:v6+s5+$0x0] =	vst.idx.msk $0xffff, v1;
	v1 =	vadd.s32 $0xC9, v2  }
0xc3: {  	[tilespmem:v7+s5+$0x0] =	vst.idx.msk $0xffff, v1  }
0xc4: {  	v1 =	vld [tilespmem:$0x130]  }
0xc5: {  	v2 =	vld [tilespmem:$0x330]  }
0xc6: {  	v4 =	vor.u32 $0x4C0, v0;
	v3 =	vld [tilespmem:$0x530]  }
0xc7: {  	v5 =	vor.u32 $0x4C1, v0  }
0xc8: {  	v6 =	vor.u32 $0x4C2, v0  }
0xc9: {  	v7 =	vor.u32 $0x4C3, v0;
	_ =	sdelay $0x1  }
0xca: {  	[tilespmem:v4+s5+$0x0] =	vst.idx.msk $0xffff, v1;
	v1 =	vadd.s32 $0x64, v2;
	v2 =	vshll.u32 v3, $0x1  }
0xcb: {  	[tilespmem:v5+s5+$0x0] =	vst.idx.msk $0xffff, v1;
	v1 =	vadd.s32 $0xC8, v2  }
0xcc: {  	[tilespmem:v6+s5+$0x0] =	vst.idx.msk $0xffff, v1;
	v1 =	vadd.s32 $0xC9, v2  }
0xcd: {  	[tilespmem:v7+s5+$0x0] =	vst.idx.msk $0xffff, v1  }
0xce: {  	v1 =	vld [tilespmem:$0x140]  }
0xcf: {  	v2 =	vld [tilespmem:$0x340]  }
0xd0: {  	v4 =	vor.u32 $0x500, v0;
	v3 =	vld [tilespmem:$0x540]  }
0xd1: {  	v5 =	vor.u32 $0x501, v0  }
0xd2: {  	v6 =	vor.u32 $0x502, v0  }
0xd3: {  	v7 =	vor.u32 $0x503, v0;
	_ =	sdelay $0x1  }
0xd4: {  	[tilespmem:v4+s5+$0x0] =	vst.idx.msk $0xffff, v1;
	v1 =	vadd.s32 $0x64, v2;
	v2 =	vshll.u32 v3, $0x1  }
0xd5: {  	[tilespmem:v5+s5+$0x0] =	vst.idx.msk $0xffff, v1;
	v1 =	vadd.s32 $0xC8, v2  }
0xd6: {  	[tilespmem:v6+s5+$0x0] =	vst.idx.msk $0xffff, v1;
	v1 =	vadd.s32 $0xC9, v2  }
0xd7: {  	[tilespmem:v7+s5+$0x0] =	vst.idx.msk $0xffff, v1  }
0xd8: {  	v1 =	vld [tilespmem:$0x150]  }
0xd9: {  	v2 =	vld [tilespmem:$0x350]  }
0xda: {  	v4 =	vor.u32 $0x540, v0;
	v3 =	vld [tilespmem:$0x550]  }
0xdb: {  	v5 =	vor.u32 $0x541, v0  }
0xdc: {  	v6 =	vor.u32 $0x542, v0  }
0xdd: {  	v7 =	vor.u32 $0x543, v0;
	_ =	sdelay $0x1  }
0xde: {  	[tilespmem:v4+s5+$0x0] =	vst.idx.msk $0xffff, v1;
	v1 =	vadd.s32 $0x64, v2;
	v2 =	vshll.u32 v3, $0x1  }
0xdf: {  	[tilespmem:v5+s5+$0x0] =	vst.idx.msk $0xffff, v1;
	v1 =	vadd.s32 $0xC8, v2  }
0xe0: {  	[tilespmem:v6+s5+$0x0] =	vst.idx.msk $0xffff, v1;
	v1 =	vadd.s32 $0xC9, v2  }
0xe1: {  	[tilespmem:v7+s5+$0x0] =	vst.idx.msk $0xffff, v1  }
0xe2: {  	v1 =	vld [tilespmem:$0x160]  }
0xe3: {  	v2 =	vld [tilespmem:$0x360]  }
0xe4: {  	v4 =	vor.u32 $0x580, v0;
	v3 =	vld [tilespmem:$0x560]  }
0xe5: {  	v5 =	vor.u32 $0x581, v0  }
0xe6: {  	v6 =	vor.u32 $0x582, v0  }
0xe7: {  	v7 =	vor.u32 $0x583, v0;
	_ =	sdelay $0x1  }
0xe8: {  	[tilespmem:v4+s5+$0x0] =	vst.idx.msk $0xffff, v1;
	v1 =	vadd.s32 $0x64, v2;
	v2 =	vshll.u32 v3, $0x1  }
0xe9: {  	[tilespmem:v5+s5+$0x0] =	vst.idx.msk $0xffff, v1;
	v1 =	vadd.s32 $0xC8, v2  }
0xea: {  	[tilespmem:v6+s5+$0x0] =	vst.idx.msk $0xffff, v1;
	v1 =	vadd.s32 $0xC9, v2  }
0xeb: {  	[tilespmem:v7+s5+$0x0] =	vst.idx.msk $0xffff, v1  }
0xec: {  	v1 =	vld [tilespmem:$0x170]  }
0xed: {  	v2 =	vld [tilespmem:$0x370]  }
0xee: {  	v4 =	vor.u32 $0x5C0, v0;
	v3 =	vld [tilespmem:$0x570]  }
0xef: {  	v5 =	vor.u32 $0x5C1, v0  }
0xf0: {  	v6 =	vor.u32 $0x5C2, v0  }
0xf1: {  	v7 =	vor.u32 $0x5C3, v0;
	_ =	sdelay $0x1  }
0xf2: {  	[tilespmem:v4+s5+$0x0] =	vst.idx.msk $0xffff, v1;
	v1 =	vadd.s32 $0x64, v2;
	v2 =	vshll.u32 v3, $0x1  }
0xf3: {  	[tilespmem:v5+s5+$0x0] =	vst.idx.msk $0xffff, v1;
	v1 =	vadd.s32 $0xC8, v2  }
0xf4: {  	[tilespmem:v6+s5+$0x0] =	vst.idx.msk $0xffff, v1;
	v1 =	vadd.s32 $0xC9, v2  }
0xf5: {  	[tilespmem:v7+s5+$0x0] =	vst.idx.msk $0xffff, v1  }
0xf6: {  	v1 =	vld [tilespmem:$0x180]  }
0xf7: {  	v2 =	vld [tilespmem:$0x380]  }
0xf8: {  	v4 =	vor.u32 $0x600, v0;
	v3 =	vld [tilespmem:$0x580]  }
0xf9: {  	v5 =	vor.u32 $0x601, v0  }
0xfa: {  	v6 =	vor.u32 $0x602, v0  }
0xfb: {  	v7 =	vor.u32 $0x603, v0;
	_ =	sdelay $0x1  }
0xfc: {  	[tilespmem:v4+s5+$0x0] =	vst.idx.msk $0xffff, v1;
	v1 =	vadd.s32 $0x64, v2;
	v2 =	vshll.u32 v3, $0x1  }
0xfd: {  	[tilespmem:v5+s5+$0x0] =	vst.idx.msk $0xffff, v1;
	v1 =	vadd.s32 $0xC8, v2  }
0xfe: {  	[tilespmem:v6+s5+$0x0] =	vst.idx.msk $0xffff, v1;
	v1 =	vadd.s32 $0xC9, v2  }
0xff: {  	[tilespmem:v7+s5+$0x0] =	vst.idx.msk $0xffff, v1  }
0x100: {  	v1 =	vld [tilespmem:$0x190]  }
0x101: {  	v2 =	vld [tilespmem:$0x390]  }
0x102: {  	v4 =	vor.u32 $0x640, v0;
	v3 =	vld [tilespmem:$0x590]  }
0x103: {  	v5 =	vor.u32 $0x641, v0  }
0x104: {  	v6 =	vor.u32 $0x642, v0  }
0x105: {  	v7 =	vor.u32 $0x643, v0;
	_ =	sdelay $0x1  }
0x106: {  	[tilespmem:v4+s5+$0x0] =	vst.idx.msk $0xffff, v1;
	v1 =	vadd.s32 $0x64, v2;
	v2 =	vshll.u32 v3, $0x1  }
0x107: {  	[tilespmem:v5+s5+$0x0] =	vst.idx.msk $0xffff, v1;
	v1 =	vadd.s32 $0xC8, v2  }
0x108: {  	[tilespmem:v6+s5+$0x0] =	vst.idx.msk $0xffff, v1;
	v1 =	vadd.s32 $0xC9, v2  }
0x109: {  	[tilespmem:v7+s5+$0x0] =	vst.idx.msk $0xffff, v1  }
0x10a: {  	v1 =	vld [tilespmem:$0x1A0]  }
0x10b: {  	v2 =	vld [tilespmem:$0x3A0]  }
0x10c: {  	v4 =	vor.u32 $0x680, v0;
	v3 =	vld [tilespmem:$0x5A0]  }
0x10d: {  	v5 =	vor.u32 $0x681, v0  }
0x10e: {  	v6 =	vor.u32 $0x682, v0  }
0x10f: {  	v7 =	vor.u32 $0x683, v0;
	_ =	sdelay $0x1  }
0x110: {  	[tilespmem:v4+s5+$0x0] =	vst.idx.msk $0xffff, v1;
	v1 =	vadd.s32 $0x64, v2;
	v2 =	vshll.u32 v3, $0x1  }
0x111: {  	[tilespmem:v5+s5+$0x0] =	vst.idx.msk $0xffff, v1;
	v1 =	vadd.s32 $0xC8, v2  }
0x112: {  	[tilespmem:v6+s5+$0x0] =	vst.idx.msk $0xffff, v1;
	v1 =	vadd.s32 $0xC9, v2  }
0x113: {  	[tilespmem:v7+s5+$0x0] =	vst.idx.msk $0xffff, v1  }
0x114: {  	v1 =	vld [tilespmem:$0x1B0]  }
0x115: {  	v2 =	vld [tilespmem:$0x3B0]  }
0x116: {  	v4 =	vor.u32 $0x6C0, v0;
	v3 =	vld [tilespmem:$0x5B0]  }
0x117: {  	v5 =	vor.u32 $0x6C1, v0  }
0x118: {  	v6 =	vor.u32 $0x6C2, v0  }
0x119: {  	v7 =	vor.u32 $0x6C3, v0;
	_ =	sdelay $0x1  }
0x11a: {  	[tilespmem:v4+s5+$0x0] =	vst.idx.msk $0xffff, v1;
	v1 =	vadd.s32 $0x64, v2;
	v2 =	vshll.u32 v3, $0x1  }
0x11b: {  	[tilespmem:v5+s5+$0x0] =	vst.idx.msk $0xffff, v1;
	v1 =	vadd.s32 $0xC8, v2  }
0x11c: {  	[tilespmem:v6+s5+$0x0] =	vst.idx.msk $0xffff, v1;
	v1 =	vadd.s32 $0xC9, v2  }
0x11d: {  	[tilespmem:v7+s5+$0x0] =	vst.idx.msk $0xffff, v1  }
0x11e: {  	v1 =	vld [tilespmem:$0x1C0]  }
0x11f: {  	v2 =	vld [tilespmem:$0x3C0]  }
0x120: {  	v4 =	vor.u32 $0x700, v0;
	v3 =	vld [tilespmem:$0x5C0]  }
0x121: {  	v5 =	vor.u32 $0x701, v0  }
0x122: {  	v6 =	vor.u32 $0x702, v0  }
0x123: {  	v7 =	vor.u32 $0x703, v0;
	_ =	sdelay $0x1  }
0x124: {  	[tilespmem:v4+s5+$0x0] =	vst.idx.msk $0xffff, v1;
	v1 =	vadd.s32 $0x64, v2;
	v2 =	vshll.u32 v3, $0x1  }
0x125: {  	[tilespmem:v5+s5+$0x0] =	vst.idx.msk $0xffff, v1;
	v1 =	vadd.s32 $0xC8, v2  }
0x126: {  	[tilespmem:v6+s5+$0x0] =	vst.idx.msk $0xffff, v1;
	v1 =	vadd.s32 $0xC9, v2  }
0x127: {  	[tilespmem:v7+s5+$0x0] =	vst.idx.msk $0xffff, v1  }
0x128: {  	v1 =	vld [tilespmem:$0x1D0]  }
0x129: {  	v2 =	vld [tilespmem:$0x3D0]  }
0x12a: {  	v4 =	vor.u32 $0x740, v0;
	v3 =	vld [tilespmem:$0x5D0]  }
0x12b: {  	v5 =	vor.u32 $0x741, v0  }
0x12c: {  	v6 =	vor.u32 $0x742, v0  }
0x12d: {  	v7 =	vor.u32 $0x743, v0;
	_ =	sdelay $0x1  }
0x12e: {  	[tilespmem:v4+s5+$0x0] =	vst.idx.msk $0xffff, v1;
	v1 =	vadd.s32 $0x64, v2;
	v2 =	vshll.u32 v3, $0x1  }
0x12f: {  	[tilespmem:v5+s5+$0x0] =	vst.idx.msk $0xffff, v1;
	v1 =	vadd.s32 $0xC8, v2  }
0x130: {  	[tilespmem:v6+s5+$0x0] =	vst.idx.msk $0xffff, v1;
	v1 =	vadd.s32 $0xC9, v2  }
0x131: {  	[tilespmem:v7+s5+$0x0] =	vst.idx.msk $0xffff, v1  }
0x132: {  	v1 =	vld [tilespmem:$0x1E0]  }
0x133: {  	v2 =	vld [tilespmem:$0x3E0]  }
0x134: {  	v4 =	vor.u32 $0x780, v0;
	v3 =	vld [tilespmem:$0x5E0]  }
0x135: {  	v5 =	vor.u32 $0x781, v0  }
0x136: {  	v6 =	vor.u32 $0x782, v0  }
0x137: {  	v7 =	vor.u32 $0x783, v0;
	_ =	sdelay $0x1  }
0x138: {  	[tilespmem:v4+s5+$0x0] =	vst.idx.msk $0xffff, v1;
	v1 =	vadd.s32 $0x64, v2;
	v2 =	vshll.u32 v3, $0x1  }
0x139: {  	[tilespmem:v5+s5+$0x0] =	vst.idx.msk $0xffff, v1;
	v1 =	vadd.s32 $0xC8, v2  }
0x13a: {  	[tilespmem:v6+s5+$0x0] =	vst.idx.msk $0xffff, v1;
	v1 =	vadd.s32 $0xC9, v2  }
0x13b: {  	[tilespmem:v7+s5+$0x0] =	vst.idx.msk $0xffff, v1  }
0x13c: {  	v1 =	vld [tilespmem:$0x1F0]  }
0x13d: {  	v2 =	vld [tilespmem:$0x3F0]  }
0x13e: {  	v4 =	vor.u32 $0x7C0, v0;
	v3 =	vld [tilespmem:$0x5F0]  }
0x13f: {  	v5 =	vor.u32 $0x7C1, v0  }
0x140: {  	v6 =	vor.u32 $0x7C2, v0  }
0x141: {  	v7 =	vor.u32 $0x7C3, v0;
	_ =	sdelay $0x1  }
0x142: {  	[tilespmem:v4+s5+$0x0] =	vst.idx.msk $0xffff, v1;
	v1 =	vadd.s32 $0x64, v2;
	v2 =	vshll.u32 v3, $0x1  }
0x143: {  	[tilespmem:v5+s5+$0x0] =	vst.idx.msk $0xffff, v1;
	v1 =	vadd.s32 $0xC8, v2  }
0x144: {  	[tilespmem:v6+s5+$0x0] =	vst.idx.msk $0xffff, v1;
	v1 =	vadd.s32 $0xC9, v2  }
0x145: {  	[tilespmem:v7+s5+$0x0] =	vst.idx.msk $0xffff, v1  }
0x146: {  	[bflag:$0x0] =	sbarrier.arrive $0xFFFF  }
0x147: {  	s31 =	rddreg [dreg:$0xf]  }
0x148: {  	s8 =	rddreg [dreg:$0x10]  }
0x149: {  	[tilespmem:s7], [sflag:$0x1] =	stream.indirect.gather [spmem:s1], $0x20, s5, s6, $0xb8;
	[tilespmem:$0x112B0] =	vst v63  }
0x14a: {  	s0 =	rddreg [dreg:$0x11]  }
0x14b: {  	s30 =	rddreg [dreg:$0x12]  }
0x14c: {  	[tilespmem:s8], [sflag:$0x1] =	stream.indirect.gather [spmem:s1], $0x20, s31, s6, $0xb8;
	[tilespmem:$0x112B0] =	vst v63  }
0x14d: {  	s31 =	rddreg [dreg:$0x13]  }
0x14e: {  	s8 =	rddreg [dreg:$0x14]  }
0x14f: {  	[tilespmem:s30], [sflag:$0x1] =	stream.indirect.gather [spmem:s1], $0x20, s0, s6, $0xb8;
	[tilespmem:$0x112B0] =	vst v63  }
0x150: {  	s0 =	rddreg [dreg:$0x15]  }
0x151: {  	s30 =	rddreg [dreg:$0x17]  }
0x152: {  	[tilespmem:s8], [sflag:$0x1] =	stream.indirect.gather [spmem:s1], $0x20, s31, s6, $0xb8;
	[tilespmem:$0x112B0] =	vst v63  }
0x153: {  	s8 =	rddreg [dreg:$0x16]  }
0x154: {  	[tilespmem:s8], [sflag:$0x1] =	stream.indirect.gather [spmem:s1], $0x20, s0, s6, $0xb8;
	[tilespmem:$0x112B0] =	vst v63  }
0x155: {  	s31 =	rddreg [dreg:$0x18]  }
0x156: {  	[tilespmem:s31], [sflag:$0x1] =	stream.indirect.gather [spmem:s1], $0x20, s30, s6, $0xb8;
	[tilespmem:$0x112B0] =	vst v63  }
0x157: {  	s30 =	simm.s32 $0x900  }
0x158: {  	[tilespmem:s9], [sflag:$0x1] =	stream.indirect.gather [spmem:s1], $0x20, s30, s6, $0xb8;
	[tilespmem:$0x112B0] =	vst v63  }
0x159: {  	_ = 	snop  }
0x15a: {  	[tilespmem:s11], [sflag:$0x1] =	stream.indirect.gather [spmem:s1], $0x20, s10, s6, $0xb8;
	[tilespmem:$0x112B0] =	vst v63  }
0x15b: {  	_ = 	snop  }
0x15c: {  	[tilespmem:s13], [sflag:$0x1] =	stream.indirect.gather [spmem:s1], $0x20, s12, s6, $0xb8;
	[tilespmem:$0x112B0] =	vst v63  }
0x15d: {  	_ = 	snop  }
0x15e: {  	[tilespmem:s15], [sflag:$0x1] =	stream.indirect.gather [spmem:s1], $0x20, s14, s6, $0xb8;
	[tilespmem:$0x112B0] =	vst v63  }
0x15f: {  	_ = 	snop  }
0x160: {  	[tilespmem:s17], [sflag:$0x1] =	stream.indirect.gather [spmem:s1], $0x20, s16, s6, $0xb8;
	[tilespmem:$0x112B0] =	vst v63  }
0x161: {  	_ = 	snop  }
0x162: {  	[tilespmem:s19], [sflag:$0x1] =	stream.indirect.gather [spmem:s1], $0x20, s18, s6, $0xb8;
	[tilespmem:$0x112B0] =	vst v63  }
0x163: {  	_ = 	snop  }
0x164: {  	[tilespmem:s21], [sflag:$0x1] =	stream.indirect.gather [spmem:s1], $0x20, s20, s6, $0xb8;
	[tilespmem:$0x112B0] =	vst v63  }
0x165: {  	_ = 	snop  }
0x166: {  	[tilespmem:s23], [sflag:$0x1] =	stream.indirect.gather [spmem:s1], $0x20, s22, s6, $0xb8;
	[tilespmem:$0x112B0] =	vst v63  }
0x167: {  	_ = 	snop  }
0x168: {  	[tilespmem:s25], [sflag:$0x1] =	stream.indirect.gather [spmem:s1], $0x20, s24, s6, $0xb8;
	[tilespmem:$0x112B0] =	vst v63  }
0x169: {  	_ = 	snop  }
0x16a: {  	[tilespmem:s28], [sflag:$0x1] =	stream.indirect.gather [spmem:s1], $0x20, s26, s6, $0xb8;
	[tilespmem:$0x112B0] =	vst v63  }
0x16b: {  	_ =	swait.ge [sflag:s29], $0x1000  }
0x16c: {  	[sflag:s29] =	ssyncset.done $0x0  }
0x16d: {  	[sflag:s29] =	ssyncadd.s32 $0xFFFFF000  }
0x16e: {  	_ =	swait.ge [sflag:s29], $0x1000  }
0x16f: {  	[sflag:s29] =	ssyncset.done $0x0  }
0x170: {  	[sflag:s29] =	ssyncadd.s32 $0xFFFFF000  }
0x171: {  	_ =	swait.ge [sflag:s29], $0x1000  }
0x172: {  	[sflag:s29] =	ssyncset.done $0x0  }
0x173: {  	[sflag:s29] =	ssyncadd.s32 $0xFFFFF000  }
0x174: {  	_ =	swait.ge [sflag:s29], $0x1000  }
0x175: {  	[sflag:s29] =	ssyncset.done $0x0  }
0x176: {  	[sflag:s29] =	ssyncadd.s32 $0xFFFFF000  }
0x177: {  	_ =	swait.ge [sflag:s29], $0x1000  }
0x178: {  	[sflag:s29] =	ssyncset.done $0x0  }
0x179: {  	[sflag:s29] =	ssyncadd.s32 $0xFFFFF000  }
0x17a: {  	_ =	swait.ge [sflag:s29], $0x1000  }
0x17b: {  	[sflag:s29] =	ssyncset.done $0x0  }
0x17c: {  	[sflag:s29] =	ssyncadd.s32 $0xFFFFF000  }
0x17d: {  	_ =	swait.ge [sflag:s29], $0x1000  }
0x17e: {  	[sflag:s29] =	ssyncset.done $0x0  }
0x17f: {  	[sflag:s29] =	ssyncadd.s32 $0xFFFFF000  }
0x180: {  	_ =	swait.ge [sflag:s29], $0x1000  }
0x181: {  	[sflag:s29] =	ssyncset.done $0x0  }
0x182: {  	[sflag:s29] =	ssyncadd.s32 $0xFFFFF000  }
0x183: {  	_ =	swait.ge [sflag:s29], $0x1000  }
0x184: {  	[sflag:s29] =	ssyncset.done $0x0  }
0x185: {  	[sflag:s29] =	ssyncadd.s32 $0xFFFFF000  }
0x186: {  	_ =	swait.ge [sflag:s29], $0x1000  }
0x187: {  	[sflag:s29] =	ssyncset.done $0x0  }
0x188: {  	[sflag:s29] =	ssyncadd.s32 $0xFFFFF000  }
0x189: {  	_ =	swait.ge [sflag:s29], $0x1000  }
0x18a: {  	[sflag:s29] =	ssyncset.done $0x0  }
0x18b: {  	[sflag:s29] =	ssyncadd.s32 $0xFFFFF000  }
0x18c: {  	_ =	swait.ge [sflag:s29], $0x1000  }
0x18d: {  	[sflag:s29] =	ssyncset.done $0x0  }
0x18e: {  	[sflag:s29] =	ssyncadd.s32 $0xFFFFF000  }
0x18f: {  	_ =	swait.ge [sflag:s29], $0x1000  }
0x190: {  	[sflag:s29] =	ssyncset.done $0x0  }
0x191: {  	[sflag:s29] =	ssyncadd.s32 $0xFFFFF000  }
0x192: {  	_ =	swait.ge [sflag:s29], $0x1000  }
0x193: {  	[sflag:s29] =	ssyncset.done $0x0  }
0x194: {  	[sflag:s29] =	ssyncadd.s32 $0xFFFFF000  }
0x195: {  	_ =	swait.ge [sflag:s29], $0x1000  }
0x196: {  	[sflag:s29] =	ssyncset.done $0x0  }
0x197: {  	[sflag:s29] =	ssyncadd.s32 $0xFFFFF000  }
0x198: {  	s3 =	sadd.s32 $0xFFFFFFFF, s3;
	_ =	swait.ge [sflag:s29], $0x1000  }
0x199: {  	p1 =	sne.s32 s3, $0x0;
	[sflag:s29] =	ssyncset.done $0x0  }
.Ltmp0:
0x19a: {  	s31 =	rddreg [dreg:$0xb];
	[sflag:s29] =	ssyncadd.s32 $0xFFFFF000;
	(pc) =	sbr.rel @p1 .LBB2_1-.Ltmp0, $4  }
0x19b: {  	[hbm4b:s31+s2] =	stream.linear.scatter [tilespmem:s7], [sflag:$0x2], $0x10000, $0x38;
	[tilespmem:$0x112B0] =	vst v63  }
0x19c: {  	_ =	swait.ge [sflag:s4], $0x10000  }
0x19d: {  	[sflag:s4] =	ssyncset.done $0x0  }
0x19e: {  	[sflag:s4] =	ssyncadd.s32 $0xFFFF0000  }
0x19f: {  	_ =	sfence.sel $0x180000  }
0x1a0: {  	[bflag:$0x0] =	sbarrier.arrive $0xFFFF  }
0x1a1: {  	_ =	strace $0x90000047  }
0x1a2: {  	[bflag:$0x2] =	sbarrier.arrive $0xFFFF  }
0x1a3: {  	s0 =	rddreg [dreg:$0x6]  }
0x1a4: {  	s0 =	sadd.s32 @!p0 $0x100000, s0  }
0x1a5: {  	[sflag:s0] =	ssyncadd.tile.s32 @!p0 $0x1;
	_ =	shalt  }
.Lfunc_end2:
_tile_overlayer_lowered:
.L_overlay_start_2:
0x1a6: {  	(tag) =	ssettag $0x2  }
0x1a7: {  	s0 =	rddreg [dreg:$0x0];
	s2 =	stileid.u32  }
0x1a8: {  	s1 =	rddreg [dreg:$0x1];
	p0 =	sne.s32 s2, $0x0  }
0x1a9: {  	s3 =	rddreg [dreg:$0x2];
	[bflag:$0x3] =	sbarrier.arrive $0xFFFF;
	s2 =	simm.s32 @!p0 $0x1C02  }
0x1aa: {  	[timem:s3], [sflag:s2] =	dma.local @!p0 [hbm:s0], s1  }
0x1ab: {  	s0 =	simm.s32 @!p0 $0x2  }
0x1ac: {  	_ =	swait.ge @!p0 [sflag:s0], s1  }
0x1ad: {  	s1 =	ssub.s32 @!p0 $0x0, s1;
	[sflag:s0] =	ssyncset.done @!p0 $0x0  }
0x1ae: {  	[sflag:s0] =	ssyncadd.s32 @!p0 s1  }
0x1af: {  	[bflag:$0x3] =	sbarrier.arrive $0xFFFF  }
0x1b0: {  	_ =	shalt  }

</sc_bundles>
